<compile_context>
chip_gen: v7x
topology: tpu7x:2x2x1
jax: 0.10.2.dev20260603
libtpu: 0.0.44.dev20260713+nightly
codegen_flags: <defaults>
</compile_context>

<pallas_src>
import functools

import jax
import jax.numpy as jnp
from jax import lax
from jax.experimental import pallas as pl
from jax.experimental.pallas import tpu as pltpu
from jax.experimental.pallas import tpu_sc as plsc

_B = 16384
_N = 100000
_EMB = 10
_CH = 128
_RB = 51200

_DN = (((0,), (0,)), ((), ()))


def _tc_proj_body(ut_ref, it_ref, w_ref, pop_ref, wb_ref, up_ref, ip_ref, c_ref):
    up_ref[...] = lax.dot_general(
        w_ref[...], ut_ref[...], _DN, preferred_element_type=jnp.float32)[0]
    ip_ref[...] = lax.dot_general(
        w_ref[...], it_ref[...], _DN, preferred_element_type=jnp.float32)[1]
    c_ref[...] = pop_ref[...] * wb_ref[0] + wb_ref[1]


def _tc_project(ut_t, it_t, w2t, pop, wb2):
    grid = ((_N + _RB - 1) // _RB,)
    return pl.pallas_call(
        _tc_proj_body,
        grid=grid,
        in_specs=[
            pl.BlockSpec((_EMB, _RB), lambda i: (0, i)),
            pl.BlockSpec((_EMB, _RB), lambda i: (0, i)),
            pl.BlockSpec((_EMB, 2), lambda i: (0, 0)),
            pl.BlockSpec((_B,), lambda i: (0,)),
            pl.BlockSpec((2,), lambda i: (0,)),
        ],
        out_specs=[
            pl.BlockSpec((_RB,), lambda i: (i,)),
            pl.BlockSpec((_RB,), lambda i: (i,)),
            pl.BlockSpec((_B,), lambda i: (0,)),
        ],
        out_shape=[
            jax.ShapeDtypeStruct((_N,), jnp.float32),
            jax.ShapeDtypeStruct((_N,), jnp.float32),
            jax.ShapeDtypeStruct((_B,), jnp.float32),
        ],
        compiler_params=pltpu.CompilerParams(
            dimension_semantics=("parallel",)),
    )(ut_t, it_t, w2t, pop, wb2)


@functools.lru_cache(maxsize=1)
def _build_sc_kernel():
    info = plsc.get_sparse_core_info()
    nc, ns, L = info.num_cores, info.num_subcores, info.num_lanes
    nw = nc * ns
    bpw = _B // nw
    nch = bpw // _CH
    groups = bpw // L
    mesh = plsc.VectorSubcoreMesh(core_axis_name="c", subcore_axis_name="s")

    @functools.partial(
        pl.kernel,
        out_type=jax.ShapeDtypeStruct((_B,), jnp.float32),
        mesh=mesh,
        scratch_types=[
            pltpu.VMEM((nch, _CH), jnp.int32),
            pltpu.VMEM((nch, _CH), jnp.int32),
            pltpu.VMEM((bpw,), jnp.float32),
            pltpu.VMEM((nch, _CH), jnp.float32),
            pltpu.VMEM((nch, _CH), jnp.float32),
            pltpu.VMEM((bpw,), jnp.float32),
            pltpu.SemaphoreType.DMA,
            pltpu.SemaphoreType.DMA,
        ],
    )
    def sc_kernel(users2d, items2d, c_hbm, up_hbm, ip_hbm, out_hbm,
                  uidx, iidx, c_v, uvals, ivals, out_v, sem, gsem):
        wid = lax.axis_index("s") * nc + lax.axis_index("c")
        base = wid * bpw
        row0 = wid * nch
        stage = [
            pltpu.async_copy(users2d.at[pl.ds(row0, nch)], uidx, sem),
            pltpu.async_copy(items2d.at[pl.ds(row0, nch)], iidx, sem),
            pltpu.async_copy(c_hbm.at[pl.ds(base, bpw)], c_v, sem),
        ]
        stage[0].wait()
        stage[1].wait()
        copies = []
        for c in range(nch):
            copies.append(pltpu.async_copy(
                up_hbm.at[uidx.at[c]], uvals.at[c], gsem))
            copies.append(pltpu.async_copy(
                ip_hbm.at[iidx.at[c]], ivals.at[c], gsem))
        stage[2].wait()
        for cp in copies:
            cp.wait()

        one = jnp.full((L,), 1.0, jnp.float32)
        gpr = _CH // L

        for j in range(groups):
            off = j * L
            r, cofs = j // gpr, (j % gpr) * L
            acc = (c_v[pl.ds(off, L)] + uvals[r, pl.ds(cofs, L)]
                   + ivals[r, pl.ds(cofs, L)])
            out_v[pl.ds(off, L)] = one / (one + jnp.exp(-acc))

        pltpu.sync_copy(out_v, out_hbm.at[pl.ds(base, bpw)])

    return sc_kernel


def kernel(users, items, pop, user_table, item_table, W, b):
    sc = _build_sc_kernel()
    w = W.reshape(21)
    w2t = jnp.stack([w[0:_EMB], w[_EMB:2 * _EMB]], axis=1)
    wb2 = jnp.stack([w[20], b[0]])
    u_proj, i_proj, c = _tc_project(user_table.T, item_table.T, w2t, pop, wb2)
    users2d = users.reshape(_B // _CH, _CH)
    items2d = items.reshape(_B // _CH, _CH)
    return sc(users2d, items2d, c, u_proj, i_proj)

# --- scband reference (transcript-rebuilt; emitter-appended) ---
"""Pipeline reference for scband-my-two-linear-87325275062730 (READ-ONLY COPY).

The authoritative reference and input builder live on the scoring server;
editing this copy changes nothing except your own understanding.
"""

import jax, jax.numpy as jnp
import numpy as np

N_USER = 100000
M_ITEM = 100000
EMB = 10
BATCH = 16384


def _xavier_uniform(key, shape):
    fan_in, fan_out = shape[1], shape[0]
    limit = float(np.sqrt(6.0 / (fan_in + fan_out)))
    return jax.random.uniform(key, shape, dtype=jnp.float32, minval=-limit, maxval=limit)


def setup_inputs(seed: int = 0) -> dict:
    key = jax.random.key(seed)
    k_users, k_items, k_pop, k_ut, k_it, k_w, k_b = jax.random.split(key, 7)
    users = jax.random.randint(k_users, (BATCH,), 0, N_USER, dtype=jnp.int64 if jax.config.jax_enable_x64 else jnp.int32).astype(jnp.int32)
    items = jax.random.randint(k_items, (BATCH,), 0, M_ITEM, dtype=jnp.int64 if jax.config.jax_enable_x64 else jnp.int32).astype(jnp.int32)
    pop = jax.random.uniform(k_pop, (BATCH,), dtype=jnp.float32)
    user_table = _xavier_uniform(k_ut, (N_USER, EMB))
    item_table = _xavier_uniform(k_it, (M_ITEM, EMB))
    # nn.Linear(21, 1): weight [1, 21], bias [1]
    limit = float(np.sqrt(1.0 / 21.0))
    W = jax.random.uniform(k_w, (1, 21), dtype=jnp.float32, minval=-limit, maxval=limit)
    b = jax.random.uniform(k_b, (1,), dtype=jnp.float32, minval=-limit, maxval=limit)
    return {"users": users, "items": items, "pop": pop, "user_table": user_table, "item_table": item_table, "W": W, "b": b}


def reference(users, items, pop, user_table, item_table, W, b):
    u_emb = jnp.take(user_table, users, axis=0)          # [B, 10]
    i_emb = jnp.take(item_table, items, axis=0)          # [B, 10]
    pop2 = pop.reshape((-1, 1))                          # [B, 1]
    emb = jnp.concatenate((u_emb, i_emb, pop2), axis=-1) # [B, 21]
    preds = emb @ W.T + b                                # [B, 1]
    return jax.nn.sigmoid(jnp.squeeze(preds))            # [B]

if __name__ == "__main__":
    import jax
    _d = setup_inputs()
    print(jax.jit(kernel)(*tuple(_d.values())))

</pallas_src>

<mosaic_0001>
#map = affine_map<(d0, d1) -> (0, 0)>
#map1 = affine_map<(d0, d1) -> (0)>
module attributes {stable_mosaic.version = 14 : i64} {
  func.func @sc_kernel(%arg0: i32, %arg1: i32, %arg2: memref<128x128xi32, #tpu.memory_space<hbm>>, %arg3: memref<128x128xi32, #tpu.memory_space<hbm>>, %arg4: memref<16384xf32, #tpu.memory_space<hbm>>, %arg5: memref<100000xf32, #tpu.memory_space<hbm>>, %arg6: memref<100000xf32, #tpu.memory_space<hbm>>, %arg7: memref<16384xf32, #tpu.memory_space<hbm>>, %arg8: memref<4x128xi32, #tpu.memory_space<vmem>>, %arg9: memref<4x128xi32, #tpu.memory_space<vmem>>, %arg10: memref<512xf32, #tpu.memory_space<vmem>>, %arg11: memref<4x128xf32, #tpu.memory_space<vmem>>, %arg12: memref<4x128xf32, #tpu.memory_space<vmem>>, %arg13: memref<512xf32, #tpu.memory_space<vmem>>, %arg14: memref<!tpu.dma_semaphore, #tpu.memory_space<semaphore_mem>>, %arg15: memref<!tpu.dma_semaphore, #tpu.memory_space<semaphore_mem>>) attributes {dimension_semantics = [#tpu.dimension_semantics<core_parallel>, #tpu.dimension_semantics<subcore_parallel>], iteration_bounds = array<i64: 2, 16>, scalar_prefetch = 0 : i64, scratch_operands = 8 : i64, tpu.core_type = #tpu.core_type<sc_vector_subcore>, window_params = [{transform_indices = #map}, {transform_indices = #map}, {transform_indices = #map1}, {transform_indices = #map1}, {transform_indices = #map1}, {transform_indices = #map1}]} {
    %mul3A = arith.constant 2 : i32
    %mul3A_0 = arith.muli %arg1, %mul3A : i32
    %add3A = arith.addi %mul3A_0, %arg0 : i32
    %mul3A_1 = arith.constant 512 : i32
    %mul3A_2 = arith.muli %add3A, %mul3A_1 : i32
    %mul3A_3 = arith.constant 4 : i32
    %mul3A_4 = arith.muli %add3A, %mul3A_3 : i32
    %dma_start3A = arith.constant 0 : i32
    %dma_start3A_5 = tpu.memref_slice %arg2[%mul3A_4, %dma_start3A] : memref<128x128xi32, #tpu.memory_space<hbm>> -> memref<4x128xi32, #tpu.memory_space<hbm>>
    %dma_start3A_6 = arith.constant 0 : i32
    %dma_start3A_7 = tpu.memref_slice %arg2[%mul3A_4, %dma_start3A_6] : memref<128x128xi32, #tpu.memory_space<hbm>> -> memref<4x128xi32, #tpu.memory_space<hbm>>
    tpu.enqueue_dma source(%dma_start3A_7 : memref<4x128xi32, #tpu.memory_space<hbm>>) target(%arg8 : memref<4x128xi32, #tpu.memory_space<vmem>>) target_semaphore(%arg14 : memref<!tpu.dma_semaphore, #tpu.memory_space<semaphore_mem>>)
    %dma_start3A_8 = arith.constant 0 : i32
    %dma_start3A_9 = tpu.memref_slice %arg3[%mul3A_4, %dma_start3A_8] : memref<128x128xi32, #tpu.memory_space<hbm>> -> memref<4x128xi32, #tpu.memory_space<hbm>>
    %dma_start3A_10 = arith.constant 0 : i32
    %dma_start3A_11 = tpu.memref_slice %arg3[%mul3A_4, %dma_start3A_10] : memref<128x128xi32, #tpu.memory_space<hbm>> -> memref<4x128xi32, #tpu.memory_space<hbm>>
    tpu.enqueue_dma source(%dma_start3A_11 : memref<4x128xi32, #tpu.memory_space<hbm>>) target(%arg9 : memref<4x128xi32, #tpu.memory_space<vmem>>) target_semaphore(%arg14 : memref<!tpu.dma_semaphore, #tpu.memory_space<semaphore_mem>>)
    %dma_start3A_12 = tpu.memref_slice %arg4[%mul3A_2] : memref<16384xf32, #tpu.memory_space<hbm>> -> memref<512xf32, #tpu.memory_space<hbm>>
    %dma_start3A_13 = tpu.memref_slice %arg4[%mul3A_2] : memref<16384xf32, #tpu.memory_space<hbm>> -> memref<512xf32, #tpu.memory_space<hbm>>
    tpu.enqueue_dma source(%dma_start3A_13 : memref<512xf32, #tpu.memory_space<hbm>>) target(%arg10 : memref<512xf32, #tpu.memory_space<vmem>>) target_semaphore(%arg14 : memref<!tpu.dma_semaphore, #tpu.memory_space<semaphore_mem>>)
    %dma_wait3A = arith.constant 0 : i32
    %dma_wait3A_14 = tpu.memref_slice %arg2[%mul3A_4, %dma_wait3A] : memref<128x128xi32, #tpu.memory_space<hbm>> -> memref<4x128xi32, #tpu.memory_space<hbm>>
    %dma_wait3A_15 = arith.constant 0 : i32
    %dma_wait3A_16 = tpu.memref_slice %arg2[%mul3A_4, %dma_wait3A_15] : memref<128x128xi32, #tpu.memory_space<hbm>> -> memref<4x128xi32, #tpu.memory_space<hbm>>
    tpu.wait_dma2 semaphore(%arg14 : memref<!tpu.dma_semaphore, #tpu.memory_space<semaphore_mem>>) src(%dma_wait3A_16 : memref<4x128xi32, #tpu.memory_space<hbm>>) dst(%arg8 : memref<4x128xi32, #tpu.memory_space<vmem>>)
    %dma_wait3A_17 = arith.constant 0 : i32
    %dma_wait3A_18 = tpu.memref_slice %arg3[%mul3A_4, %dma_wait3A_17] : memref<128x128xi32, #tpu.memory_space<hbm>> -> memref<4x128xi32, #tpu.memory_space<hbm>>
    %dma_wait3A_19 = arith.constant 0 : i32
    %dma_wait3A_20 = tpu.memref_slice %arg3[%mul3A_4, %dma_wait3A_19] : memref<128x128xi32, #tpu.memory_space<hbm>> -> memref<4x128xi32, #tpu.memory_space<hbm>>
    tpu.wait_dma2 semaphore(%arg14 : memref<!tpu.dma_semaphore, #tpu.memory_space<semaphore_mem>>) src(%dma_wait3A_20 : memref<4x128xi32, #tpu.memory_space<hbm>>) dst(%arg9 : memref<4x128xi32, #tpu.memory_space<vmem>>)
    %dma_start3A_21 = arith.constant 0 : i32
    %dma_start3A_22 = arith.constant 0 : i32
    %dma_start3A_23 = arith.constant 0 : i32
    %dma_start3A_24 = tpu.memref_slice %arg11[%dma_start3A_22, %dma_start3A_23] : memref<4x128xf32, #tpu.memory_space<vmem>> -> memref<1x128xf32, #tpu.memory_space<vmem>>
    %dma_start3A_25 = tpu.memref_squeeze %dma_start3A_24 : memref<1x128xf32, #tpu.memory_space<vmem>> -> memref<128xf32, #tpu.memory_space<vmem>>
    %dma_start3A_26 = arith.constant 0 : i32
    %dma_start3A_27 = tpu.memref_slice %arg8[%dma_start3A_21, %dma_start3A_26] : memref<4x128xi32, #tpu.memory_space<vmem>> -> memref<1x128xi32, #tpu.memory_space<vmem>>
    %dma_start3A_28 = tpu.memref_squeeze %dma_start3A_27 : memref<1x128xi32, #tpu.memory_space<vmem>> -> memref<128xi32, #tpu.memory_space<vmem>>
    %dma_start3A_29 = arith.constant 0 : i32
    %dma_start3A_30 = tpu.memref_slice %arg5[%dma_start3A_29] : memref<100000xf32, #tpu.memory_space<hbm>> -> memref<100000xf32, #tpu.memory_space<hbm>>
    tpu.enqueue_indirect_dma source(%dma_start3A_30 : memref<100000xf32, #tpu.memory_space<hbm>>) target(%dma_start3A_25 : memref<128xf32, #tpu.memory_space<vmem>>) offsets(%dma_start3A_28 : memref<128xi32, #tpu.memory_space<vmem>>) semaphore(%arg15 : memref<!tpu.dma_semaphore, #tpu.memory_space<semaphore_mem>>)
    %dma_start3A_31 = arith.constant 0 : i32
    %dma_start3A_32 = arith.constant 0 : i32
    %dma_start3A_33 = arith.constant 0 : i32
    %dma_start3A_34 = tpu.memref_slice %arg12[%dma_start3A_32, %dma_start3A_33] : memref<4x128xf32, #tpu.memory_space<vmem>> -> memref<1x128xf32, #tpu.memory_space<vmem>>
    %dma_start3A_35 = tpu.memref_squeeze %dma_start3A_34 : memref<1x128xf32, #tpu.memory_space<vmem>> -> memref<128xf32, #tpu.memory_space<vmem>>
    %dma_start3A_36 = arith.constant 0 : i32
    %dma_start3A_37 = tpu.memref_slice %arg9[%dma_start3A_31, %dma_start3A_36] : memref<4x128xi32, #tpu.memory_space<vmem>> -> memref<1x128xi32, #tpu.memory_space<vmem>>
    %dma_start3A_38 = tpu.memref_squeeze %dma_start3A_37 : memref<1x128xi32, #tpu.memory_space<vmem>> -> memref<128xi32, #tpu.memory_space<vmem>>
    %dma_start3A_39 = arith.constant 0 : i32
    %dma_start3A_40 = tpu.memref_slice %arg6[%dma_start3A_39] : memref<100000xf32, #tpu.memory_space<hbm>> -> memref<100000xf32, #tpu.memory_space<hbm>>
    tpu.enqueue_indirect_dma source(%dma_start3A_40 : memref<100000xf32, #tpu.memory_space<hbm>>) target(%dma_start3A_35 : memref<128xf32, #tpu.memory_space<vmem>>) offsets(%dma_start3A_38 : memref<128xi32, #tpu.memory_space<vmem>>) semaphore(%arg15 : memref<!tpu.dma_semaphore, #tpu.memory_space<semaphore_mem>>)
    %dma_start3A_41 = arith.constant 1 : i32
    %dma_start3A_42 = arith.constant 1 : i32
    %dma_start3A_43 = arith.constant 0 : i32
    %dma_start3A_44 = tpu.memref_slice %arg11[%dma_start3A_42, %dma_start3A_43] : memref<4x128xf32, #tpu.memory_space<vmem>> -> memref<1x128xf32, #tpu.memory_space<vmem>>
    %dma_start3A_45 = tpu.memref_squeeze %dma_start3A_44 : memref<1x128xf32, #tpu.memory_space<vmem>> -> memref<128xf32, #tpu.memory_space<vmem>>
    %dma_start3A_46 = arith.constant 0 : i32
    %dma_start3A_47 = tpu.memref_slice %arg8[%dma_start3A_41, %dma_start3A_46] : memref<4x128xi32, #tpu.memory_space<vmem>> -> memref<1x128xi32, #tpu.memory_space<vmem>>
    %dma_start3A_48 = tpu.memref_squeeze %dma_start3A_47 : memref<1x128xi32, #tpu.memory_space<vmem>> -> memref<128xi32, #tpu.memory_space<vmem>>
    %dma_start3A_49 = arith.constant 0 : i32
    %dma_start3A_50 = tpu.memref_slice %arg5[%dma_start3A_49] : memref<100000xf32, #tpu.memory_space<hbm>> -> memref<100000xf32, #tpu.memory_space<hbm>>
    tpu.enqueue_indirect_dma source(%dma_start3A_50 : memref<100000xf32, #tpu.memory_space<hbm>>) target(%dma_start3A_45 : memref<128xf32, #tpu.memory_space<vmem>>) offsets(%dma_start3A_48 : memref<128xi32, #tpu.memory_space<vmem>>) semaphore(%arg15 : memref<!tpu.dma_semaphore, #tpu.memory_space<semaphore_mem>>)
    %dma_start3A_51 = arith.constant 1 : i32
    %dma_start3A_52 = arith.constant 1 : i32
    %dma_start3A_53 = arith.constant 0 : i32
    %dma_start3A_54 = tpu.memref_slice %arg12[%dma_start3A_52, %dma_start3A_53] : memref<4x128xf32, #tpu.memory_space<vmem>> -> memref<1x128xf32, #tpu.memory_space<vmem>>
    %dma_start3A_55 = tpu.memref_squeeze %dma_start3A_54 : memref<1x128xf32, #tpu.memory_space<vmem>> -> memref<128xf32, #tpu.memory_space<vmem>>
    %dma_start3A_56 = arith.constant 0 : i32
    %dma_start3A_57 = tpu.memref_slice %arg9[%dma_start3A_51, %dma_start3A_56] : memref<4x128xi32, #tpu.memory_space<vmem>> -> memref<1x128xi32, #tpu.memory_space<vmem>>
    %dma_start3A_58 = tpu.memref_squeeze %dma_start3A_57 : memref<1x128xi32, #tpu.memory_space<vmem>> -> memref<128xi32, #tpu.memory_space<vmem>>
    %dma_start3A_59 = arith.constant 0 : i32
    %dma_start3A_60 = tpu.memref_slice %arg6[%dma_start3A_59] : memref<100000xf32, #tpu.memory_space<hbm>> -> memref<100000xf32, #tpu.memory_space<hbm>>
    tpu.enqueue_indirect_dma source(%dma_start3A_60 : memref<100000xf32, #tpu.memory_space<hbm>>) target(%dma_start3A_55 : memref<128xf32, #tpu.memory_space<vmem>>) offsets(%dma_start3A_58 : memref<128xi32, #tpu.memory_space<vmem>>) semaphore(%arg15 : memref<!tpu.dma_semaphore, #tpu.memory_space<semaphore_mem>>)
    %dma_start3A_61 = arith.constant 2 : i32
    %dma_start3A_62 = arith.constant 2 : i32
    %dma_start3A_63 = arith.constant 0 : i32
    %dma_start3A_64 = tpu.memref_slice %arg11[%dma_start3A_62, %dma_start3A_63] : memref<4x128xf32, #tpu.memory_space<vmem>> -> memref<1x128xf32, #tpu.memory_space<vmem>>
    %dma_start3A_65 = tpu.memref_squeeze %dma_start3A_64 : memref<1x128xf32, #tpu.memory_space<vmem>> -> memref<128xf32, #tpu.memory_space<vmem>>
    %dma_start3A_66 = arith.constant 0 : i32
    %dma_start3A_67 = tpu.memref_slice %arg8[%dma_start3A_61, %dma_start3A_66] : memref<4x128xi32, #tpu.memory_space<vmem>> -> memref<1x128xi32, #tpu.memory_space<vmem>>
    %dma_start3A_68 = tpu.memref_squeeze %dma_start3A_67 : memref<1x128xi32, #tpu.memory_space<vmem>> -> memref<128xi32, #tpu.memory_space<vmem>>
    %dma_start3A_69 = arith.constant 0 : i32
    %dma_start3A_70 = tpu.memref_slice %arg5[%dma_start3A_69] : memref<100000xf32, #tpu.memory_space<hbm>> -> memref<100000xf32, #tpu.memory_space<hbm>>
    tpu.enqueue_indirect_dma source(%dma_start3A_70 : memref<100000xf32, #tpu.memory_space<hbm>>) target(%dma_start3A_65 : memref<128xf32, #tpu.memory_space<vmem>>) offsets(%dma_start3A_68 : memref<128xi32, #tpu.memory_space<vmem>>) semaphore(%arg15 : memref<!tpu.dma_semaphore, #tpu.memory_space<semaphore_mem>>)
    %dma_start3A_71 = arith.constant 2 : i32
    %dma_start3A_72 = arith.constant 2 : i32
    %dma_start3A_73 = arith.constant 0 : i32
    %dma_start3A_74 = tpu.memref_slice %arg12[%dma_start3A_72, %dma_start3A_73] : memref<4x128xf32, #tpu.memory_space<vmem>> -> memref<1x128xf32, #tpu.memory_space<vmem>>
    %dma_start3A_75 = tpu.memref_squeeze %dma_start3A_74 : memref<1x128xf32, #tpu.memory_space<vmem>> -> memref<128xf32, #tpu.memory_space<vmem>>
    %dma_start3A_76 = arith.constant 0 : i32
    %dma_start3A_77 = tpu.memref_slice %arg9[%dma_start3A_71, %dma_start3A_76] : memref<4x128xi32, #tpu.memory_space<vmem>> -> memref<1x128xi32, #tpu.memory_space<vmem>>
    %dma_start3A_78 = tpu.memref_squeeze %dma_start3A_77 : memref<1x128xi32, #tpu.memory_space<vmem>> -> memref<128xi32, #tpu.memory_space<vmem>>
    %dma_start3A_79 = arith.constant 0 : i32
    %dma_start3A_80 = tpu.memref_slice %arg6[%dma_start3A_79] : memref<100000xf32, #tpu.memory_space<hbm>> -> memref<100000xf32, #tpu.memory_space<hbm>>
    tpu.enqueue_indirect_dma source(%dma_start3A_80 : memref<100000xf32, #tpu.memory_space<hbm>>) target(%dma_start3A_75 : memref<128xf32, #tpu.memory_space<vmem>>) offsets(%dma_start3A_78 : memref<128xi32, #tpu.memory_space<vmem>>) semaphore(%arg15 : memref<!tpu.dma_semaphore, #tpu.memory_space<semaphore_mem>>)
    %dma_start3A_81 = arith.constant 3 : i32
    %dma_start3A_82 = arith.constant 3 : i32
    %dma_start3A_83 = arith.constant 0 : i32
    %dma_start3A_84 = tpu.memref_slice %arg11[%dma_start3A_82, %dma_start3A_83] : memref<4x128xf32, #tpu.memory_space<vmem>> -> memref<1x128xf32, #tpu.memory_space<vmem>>
    %dma_start3A_85 = tpu.memref_squeeze %dma_start3A_84 : memref<1x128xf32, #tpu.memory_space<vmem>> -> memref<128xf32, #tpu.memory_space<vmem>>
    %dma_start3A_86 = arith.constant 0 : i32
    %dma_start3A_87 = tpu.memref_slice %arg8[%dma_start3A_81, %dma_start3A_86] : memref<4x128xi32, #tpu.memory_space<vmem>> -> memref<1x128xi32, #tpu.memory_space<vmem>>
    %dma_start3A_88 = tpu.memref_squeeze %dma_start3A_87 : memref<1x128xi32, #tpu.memory_space<vmem>> -> memref<128xi32, #tpu.memory_space<vmem>>
    %dma_start3A_89 = arith.constant 0 : i32
    %dma_start3A_90 = tpu.memref_slice %arg5[%dma_start3A_89] : memref<100000xf32, #tpu.memory_space<hbm>> -> memref<100000xf32, #tpu.memory_space<hbm>>
    tpu.enqueue_indirect_dma source(%dma_start3A_90 : memref<100000xf32, #tpu.memory_space<hbm>>) target(%dma_start3A_85 : memref<128xf32, #tpu.memory_space<vmem>>) offsets(%dma_start3A_88 : memref<128xi32, #tpu.memory_space<vmem>>) semaphore(%arg15 : memref<!tpu.dma_semaphore, #tpu.memory_space<semaphore_mem>>)
    %dma_start3A_91 = arith.constant 3 : i32
    %dma_start3A_92 = arith.constant 3 : i32
    %dma_start3A_93 = arith.constant 0 : i32
    %dma_start3A_94 = tpu.memref_slice %arg12[%dma_start3A_92, %dma_start3A_93] : memref<4x128xf32, #tpu.memory_space<vmem>> -> memref<1x128xf32, #tpu.memory_space<vmem>>
    %dma_start3A_95 = tpu.memref_squeeze %dma_start3A_94 : memref<1x128xf32, #tpu.memory_space<vmem>> -> memref<128xf32, #tpu.memory_space<vmem>>
    %dma_start3A_96 = arith.constant 0 : i32
    %dma_start3A_97 = tpu.memref_slice %arg9[%dma_start3A_91, %dma_start3A_96] : memref<4x128xi32, #tpu.memory_space<vmem>> -> memref<1x128xi32, #tpu.memory_space<vmem>>
    %dma_start3A_98 = tpu.memref_squeeze %dma_start3A_97 : memref<1x128xi32, #tpu.memory_space<vmem>> -> memref<128xi32, #tpu.memory_space<vmem>>
    %dma_start3A_99 = arith.constant 0 : i32
    %dma_start3A_100 = tpu.memref_slice %arg6[%dma_start3A_99] : memref<100000xf32, #tpu.memory_space<hbm>> -> memref<100000xf32, #tpu.memory_space<hbm>>
    tpu.enqueue_indirect_dma source(%dma_start3A_100 : memref<100000xf32, #tpu.memory_space<hbm>>) target(%dma_start3A_95 : memref<128xf32, #tpu.memory_space<vmem>>) offsets(%dma_start3A_98 : memref<128xi32, #tpu.memory_space<vmem>>) semaphore(%arg15 : memref<!tpu.dma_semaphore, #tpu.memory_space<semaphore_mem>>)
    %dma_wait3A_101 = tpu.memref_slice %arg4[%mul3A_2] : memref<16384xf32, #tpu.memory_space<hbm>> -> memref<512xf32, #tpu.memory_space<hbm>>
    %dma_wait3A_102 = tpu.memref_slice %arg4[%mul3A_2] : memref<16384xf32, #tpu.memory_space<hbm>> -> memref<512xf32, #tpu.memory_space<hbm>>
    tpu.wait_dma2 semaphore(%arg14 : memref<!tpu.dma_semaphore, #tpu.memory_space<semaphore_mem>>) src(%dma_wait3A_102 : memref<512xf32, #tpu.memory_space<hbm>>) dst(%arg10 : memref<512xf32, #tpu.memory_space<vmem>>)
    %dma_wait3A_103 = arith.constant 0 : i32
    %dma_wait3A_104 = arith.constant 0 : i32
    %dma_wait3A_105 = arith.constant 0 : i32
    %dma_wait3A_106 = tpu.memref_slice %arg11[%dma_wait3A_104, %dma_wait3A_105] : memref<4x128xf32, #tpu.memory_space<vmem>> -> memref<1x128xf32, #tpu.memory_space<vmem>>
    %dma_wait3A_107 = tpu.memref_squeeze %dma_wait3A_106 : memref<1x128xf32, #tpu.memory_space<vmem>> -> memref<128xf32, #tpu.memory_space<vmem>>
    %dma_wait3A_108 = arith.constant 0 : i32
    %dma_wait3A_109 = tpu.memref_slice %arg8[%dma_wait3A_103, %dma_wait3A_108] : memref<4x128xi32, #tpu.memory_space<vmem>> -> memref<1x128xi32, #tpu.memory_space<vmem>>
    %dma_wait3A_110 = tpu.memref_squeeze %dma_wait3A_109 : memref<1x128xi32, #tpu.memory_space<vmem>> -> memref<128xi32, #tpu.memory_space<vmem>>
    %dma_wait3A_111 = arith.constant 0 : i32
    %dma_wait3A_112 = tpu.memref_slice %arg5[%dma_wait3A_111] : memref<100000xf32, #tpu.memory_space<hbm>> -> memref<100000xf32, #tpu.memory_space<hbm>>
    tpu.wait_indirect_dma semaphore(%arg15 : memref<!tpu.dma_semaphore, #tpu.memory_space<semaphore_mem>>) src(%dma_wait3A_112 : memref<100000xf32, #tpu.memory_space<hbm>>) dst(%dma_wait3A_107 : memref<128xf32, #tpu.memory_space<vmem>>)
    %dma_wait3A_113 = arith.constant 0 : i32
    %dma_wait3A_114 = arith.constant 0 : i32
    %dma_wait3A_115 = arith.constant 0 : i32
    %dma_wait3A_116 = tpu.memref_slice %arg12[%dma_wait3A_114, %dma_wait3A_115] : memref<4x128xf32, #tpu.memory_space<vmem>> -> memref<1x128xf32, #tpu.memory_space<vmem>>
    %dma_wait3A_117 = tpu.memref_squeeze %dma_wait3A_116 : memref<1x128xf32, #tpu.memory_space<vmem>> -> memref<128xf32, #tpu.memory_space<vmem>>
    %dma_wait3A_118 = arith.constant 0 : i32
    %dma_wait3A_119 = tpu.memref_slice %arg9[%dma_wait3A_113, %dma_wait3A_118] : memref<4x128xi32, #tpu.memory_space<vmem>> -> memref<1x128xi32, #tpu.memory_space<vmem>>
    %dma_wait3A_120 = tpu.memref_squeeze %dma_wait3A_119 : memref<1x128xi32, #tpu.memory_space<vmem>> -> memref<128xi32, #tpu.memory_space<vmem>>
    %dma_wait3A_121 = arith.constant 0 : i32
    %dma_wait3A_122 = tpu.memref_slice %arg6[%dma_wait3A_121] : memref<100000xf32, #tpu.memory_space<hbm>> -> memref<100000xf32, #tpu.memory_space<hbm>>
    tpu.wait_indirect_dma semaphore(%arg15 : memref<!tpu.dma_semaphore, #tpu.memory_space<semaphore_mem>>) src(%dma_wait3A_122 : memref<100000xf32, #tpu.memory_space<hbm>>) dst(%dma_wait3A_117 : memref<128xf32, #tpu.memory_space<vmem>>)
    %dma_wait3A_123 = arith.constant 1 : i32
    %dma_wait3A_124 = arith.constant 1 : i32
    %dma_wait3A_125 = arith.constant 0 : i32
    %dma_wait3A_126 = tpu.memref_slice %arg11[%dma_wait3A_124, %dma_wait3A_125] : memref<4x128xf32, #tpu.memory_space<vmem>> -> memref<1x128xf32, #tpu.memory_space<vmem>>
    %dma_wait3A_127 = tpu.memref_squeeze %dma_wait3A_126 : memref<1x128xf32, #tpu.memory_space<vmem>> -> memref<128xf32, #tpu.memory_space<vmem>>
    %dma_wait3A_128 = arith.constant 0 : i32
    %dma_wait3A_129 = tpu.memref_slice %arg8[%dma_wait3A_123, %dma_wait3A_128] : memref<4x128xi32, #tpu.memory_space<vmem>> -> memref<1x128xi32, #tpu.memory_space<vmem>>
    %dma_wait3A_130 = tpu.memref_squeeze %dma_wait3A_129 : memref<1x128xi32, #tpu.memory_space<vmem>> -> memref<128xi32, #tpu.memory_space<vmem>>
    %dma_wait3A_131 = arith.constant 0 : i32
    %dma_wait3A_132 = tpu.memref_slice %arg5[%dma_wait3A_131] : memref<100000xf32, #tpu.memory_space<hbm>> -> memref<100000xf32, #tpu.memory_space<hbm>>
    tpu.wait_indirect_dma semaphore(%arg15 : memref<!tpu.dma_semaphore, #tpu.memory_space<semaphore_mem>>) src(%dma_wait3A_132 : memref<100000xf32, #tpu.memory_space<hbm>>) dst(%dma_wait3A_127 : memref<128xf32, #tpu.memory_space<vmem>>)
    %dma_wait3A_133 = arith.constant 1 : i32
    %dma_wait3A_134 = arith.constant 1 : i32
    %dma_wait3A_135 = arith.constant 0 : i32
    %dma_wait3A_136 = tpu.memref_slice %arg12[%dma_wait3A_134, %dma_wait3A_135] : memref<4x128xf32, #tpu.memory_space<vmem>> -> memref<1x128xf32, #tpu.memory_space<vmem>>
    %dma_wait3A_137 = tpu.memref_squeeze %dma_wait3A_136 : memref<1x128xf32, #tpu.memory_space<vmem>> -> memref<128xf32, #tpu.memory_space<vmem>>
    %dma_wait3A_138 = arith.constant 0 : i32
    %dma_wait3A_139 = tpu.memref_slice %arg9[%dma_wait3A_133, %dma_wait3A_138] : memref<4x128xi32, #tpu.memory_space<vmem>> -> memref<1x128xi32, #tpu.memory_space<vmem>>
    %dma_wait3A_140 = tpu.memref_squeeze %dma_wait3A_139 : memref<1x128xi32, #tpu.memory_space<vmem>> -> memref<128xi32, #tpu.memory_space<vmem>>
    %dma_wait3A_141 = arith.constant 0 : i32
    %dma_wait3A_142 = tpu.memref_slice %arg6[%dma_wait3A_141] : memref<100000xf32, #tpu.memory_space<hbm>> -> memref<100000xf32, #tpu.memory_space<hbm>>
    tpu.wait_indirect_dma semaphore(%arg15 : memref<!tpu.dma_semaphore, #tpu.memory_space<semaphore_mem>>) src(%dma_wait3A_142 : memref<100000xf32, #tpu.memory_space<hbm>>) dst(%dma_wait3A_137 : memref<128xf32, #tpu.memory_space<vmem>>)
    %dma_wait3A_143 = arith.constant 2 : i32
    %dma_wait3A_144 = arith.constant 2 : i32
    %dma_wait3A_145 = arith.constant 0 : i32
    %dma_wait3A_146 = tpu.memref_slice %arg11[%dma_wait3A_144, %dma_wait3A_145] : memref<4x128xf32, #tpu.memory_space<vmem>> -> memref<1x128xf32, #tpu.memory_space<vmem>>
    %dma_wait3A_147 = tpu.memref_squeeze %dma_wait3A_146 : memref<1x128xf32, #tpu.memory_space<vmem>> -> memref<128xf32, #tpu.memory_space<vmem>>
    %dma_wait3A_148 = arith.constant 0 : i32
    %dma_wait3A_149 = tpu.memref_slice %arg8[%dma_wait3A_143, %dma_wait3A_148] : memref<4x128xi32, #tpu.memory_space<vmem>> -> memref<1x128xi32, #tpu.memory_space<vmem>>
    %dma_wait3A_150 = tpu.memref_squeeze %dma_wait3A_149 : memref<1x128xi32, #tpu.memory_space<vmem>> -> memref<128xi32, #tpu.memory_space<vmem>>
    %dma_wait3A_151 = arith.constant 0 : i32
    %dma_wait3A_152 = tpu.memref_slice %arg5[%dma_wait3A_151] : memref<100000xf32, #tpu.memory_space<hbm>> -> memref<100000xf32, #tpu.memory_space<hbm>>
    tpu.wait_indirect_dma semaphore(%arg15 : memref<!tpu.dma_semaphore, #tpu.memory_space<semaphore_mem>>) src(%dma_wait3A_152 : memref<100000xf32, #tpu.memory_space<hbm>>) dst(%dma_wait3A_147 : memref<128xf32, #tpu.memory_space<vmem>>)
    %dma_wait3A_153 = arith.constant 2 : i32
    %dma_wait3A_154 = arith.constant 2 : i32
    %dma_wait3A_155 = arith.constant 0 : i32
    %dma_wait3A_156 = tpu.memref_slice %arg12[%dma_wait3A_154, %dma_wait3A_155] : memref<4x128xf32, #tpu.memory_space<vmem>> -> memref<1x128xf32, #tpu.memory_space<vmem>>
    %dma_wait3A_157 = tpu.memref_squeeze %dma_wait3A_156 : memref<1x128xf32, #tpu.memory_space<vmem>> -> memref<128xf32, #tpu.memory_space<vmem>>
    %dma_wait3A_158 = arith.constant 0 : i32
    %dma_wait3A_159 = tpu.memref_slice %arg9[%dma_wait3A_153, %dma_wait3A_158] : memref<4x128xi32, #tpu.memory_space<vmem>> -> memref<1x128xi32, #tpu.memory_space<vmem>>
    %dma_wait3A_160 = tpu.memref_squeeze %dma_wait3A_159 : memref<1x128xi32, #tpu.memory_space<vmem>> -> memref<128xi32, #tpu.memory_space<vmem>>
    %dma_wait3A_161 = arith.constant 0 : i32
    %dma_wait3A_162 = tpu.memref_slice %arg6[%dma_wait3A_161] : memref<100000xf32, #tpu.memory_space<hbm>> -> memref<100000xf32, #tpu.memory_space<hbm>>
    tpu.wait_indirect_dma semaphore(%arg15 : memref<!tpu.dma_semaphore, #tpu.memory_space<semaphore_mem>>) src(%dma_wait3A_162 : memref<100000xf32, #tpu.memory_space<hbm>>) dst(%dma_wait3A_157 : memref<128xf32, #tpu.memory_space<vmem>>)
    %dma_wait3A_163 = arith.constant 3 : i32
    %dma_wait3A_164 = arith.constant 3 : i32
    %dma_wait3A_165 = arith.constant 0 : i32
    %dma_wait3A_166 = tpu.memref_slice %arg11[%dma_wait3A_164, %dma_wait3A_165] : memref<4x128xf32, #tpu.memory_space<vmem>> -> memref<1x128xf32, #tpu.memory_space<vmem>>
    %dma_wait3A_167 = tpu.memref_squeeze %dma_wait3A_166 : memref<1x128xf32, #tpu.memory_space<vmem>> -> memref<128xf32, #tpu.memory_space<vmem>>
    %dma_wait3A_168 = arith.constant 0 : i32
    %dma_wait3A_169 = tpu.memref_slice %arg8[%dma_wait3A_163, %dma_wait3A_168] : memref<4x128xi32, #tpu.memory_space<vmem>> -> memref<1x128xi32, #tpu.memory_space<vmem>>
    %dma_wait3A_170 = tpu.memref_squeeze %dma_wait3A_169 : memref<1x128xi32, #tpu.memory_space<vmem>> -> memref<128xi32, #tpu.memory_space<vmem>>
    %dma_wait3A_171 = arith.constant 0 : i32
    %dma_wait3A_172 = tpu.memref_slice %arg5[%dma_wait3A_171] : memref<100000xf32, #tpu.memory_space<hbm>> -> memref<100000xf32, #tpu.memory_space<hbm>>
    tpu.wait_indirect_dma semaphore(%arg15 : memref<!tpu.dma_semaphore, #tpu.memory_space<semaphore_mem>>) src(%dma_wait3A_172 : memref<100000xf32, #tpu.memory_space<hbm>>) dst(%dma_wait3A_167 : memref<128xf32, #tpu.memory_space<vmem>>)
    %dma_wait3A_173 = arith.constant 3 : i32
    %dma_wait3A_174 = arith.constant 3 : i32
    %dma_wait3A_175 = arith.constant 0 : i32
    %dma_wait3A_176 = tpu.memref_slice %arg12[%dma_wait3A_174, %dma_wait3A_175] : memref<4x128xf32, #tpu.memory_space<vmem>> -> memref<1x128xf32, #tpu.memory_space<vmem>>
    %dma_wait3A_177 = tpu.memref_squeeze %dma_wait3A_176 : memref<1x128xf32, #tpu.memory_space<vmem>> -> memref<128xf32, #tpu.memory_space<vmem>>
    %dma_wait3A_178 = arith.constant 0 : i32
    %dma_wait3A_179 = tpu.memref_slice %arg9[%dma_wait3A_173, %dma_wait3A_178] : memref<4x128xi32, #tpu.memory_space<vmem>> -> memref<1x128xi32, #tpu.memory_space<vmem>>
    %dma_wait3A_180 = tpu.memref_squeeze %dma_wait3A_179 : memref<1x128xi32, #tpu.memory_space<vmem>> -> memref<128xi32, #tpu.memory_space<vmem>>
    %dma_wait3A_181 = arith.constant 0 : i32
    %dma_wait3A_182 = tpu.memref_slice %arg6[%dma_wait3A_181] : memref<100000xf32, #tpu.memory_space<hbm>> -> memref<100000xf32, #tpu.memory_space<hbm>>
    tpu.wait_indirect_dma semaphore(%arg15 : memref<!tpu.dma_semaphore, #tpu.memory_space<semaphore_mem>>) src(%dma_wait3A_182 : memref<100000xf32, #tpu.memory_space<hbm>>) dst(%dma_wait3A_177 : memref<128xf32, #tpu.memory_space<vmem>>)
    %broadcast_in_dim3A = arith.constant 1.000000e+00 : f32
    %broadcast_in_dim3A_183 = vector.broadcast %broadcast_in_dim3A : f32 to vector<16xf32>
    %get3A = arith.constant 0 : index
    %get3A_184 = tpu.vector_load %arg10[%get3A] {strides = array<i32>} : memref<512xf32, #tpu.memory_space<vmem>>, vector<16xf32>,
    %get3A_185 = vector.shape_cast %get3A_184 : vector<16xf32> to vector<16xf32>
    %get3A_186 = arith.constant 0 : i32
    %get3A_187 = arith.index_cast %get3A_186 : i32 to index
    %get3A_188 = arith.constant 0 : index
    %get3A_189 = tpu.vector_load %arg11[%get3A_187, %get3A_188] {strides = array<i32>} : memref<4x128xf32, #tpu.memory_space<vmem>>, vector<1x16xf32>,
    %get3A_190 = vector.shape_cast %get3A_189 : vector<1x16xf32> to vector<16xf32>
    %add3A_191 = arith.addf %get3A_185, %get3A_190 : vector<16xf32>
    %get3A_192 = arith.constant 0 : i32
    %get3A_193 = arith.index_cast %get3A_192 : i32 to index
    %get3A_194 = arith.constant 0 : index
    %get3A_195 = tpu.vector_load %arg12[%get3A_193, %get3A_194] {strides = array<i32>} : memref<4x128xf32, #tpu.memory_space<vmem>>, vector<1x16xf32>,
    %get3A_196 = vector.shape_cast %get3A_195 : vector<1x16xf32> to vector<16xf32>
    %add3A_197 = arith.addf %add3A_191, %get3A_196 : vector<16xf32>
    %neg3A = arith.constant 0.000000e+00 : f32
    %neg3A_198 = vector.broadcast %neg3A : f32 to vector<16xf32>
    %neg3A_199 = arith.subf %neg3A_198, %add3A_197 : vector<16xf32>
    %exp3A = math.exp %neg3A_199 : vector<16xf32>
    %add3A_200 = arith.addf %broadcast_in_dim3A_183, %exp3A : vector<16xf32>
    %div3A = arith.divf %broadcast_in_dim3A_183, %add3A_200 : vector<16xf32>
    %swap3A = arith.constant 0 : index
    %swap3A_201 = tpu.vector_load %arg13[%swap3A] {strides = array<i32>} : memref<512xf32, #tpu.memory_space<vmem>>, vector<16xf32>,
    %swap3A_202 = vector.shape_cast %swap3A_201 : vector<16xf32> to vector<16xf32>
    %swap3A_203 = vector.shape_cast %div3A : vector<16xf32> to vector<16xf32>
    tpu.vector_store %arg13[%swap3A], %swap3A_203 {strides = array<i32>} : memref<512xf32, #tpu.memory_space<vmem>>, vector<16xf32>,
    %get3A_204 = arith.constant 16 : index
    %get3A_205 = tpu.vector_load %arg10[%get3A_204] {strides = array<i32>} : memref<512xf32, #tpu.memory_space<vmem>>, vector<16xf32>,
    %get3A_206 = vector.shape_cast %get3A_205 : vector<16xf32> to vector<16xf32>
    %get3A_207 = arith.constant 0 : i32
    %get3A_208 = arith.index_cast %get3A_207 : i32 to index
    %get3A_209 = arith.constant 16 : index
    %get3A_210 = tpu.vector_load %arg11[%get3A_208, %get3A_209] {strides = array<i32>} : memref<4x128xf32, #tpu.memory_space<vmem>>, vector<1x16xf32>,
    %get3A_211 = vector.shape_cast %get3A_210 : vector<1x16xf32> to vector<16xf32>
    %add3A_212 = arith.addf %get3A_206, %get3A_211 : vector<16xf32>
    %get3A_213 = arith.constant 0 : i32
    %get3A_214 = arith.index_cast %get3A_213 : i32 to index
    %get3A_215 = arith.constant 16 : index
    %get3A_216 = tpu.vector_load %arg12[%get3A_214, %get3A_215] {strides = array<i32>} : memref<4x128xf32, #tpu.memory_space<vmem>>, vector<1x16xf32>,
    %get3A_217 = vector.shape_cast %get3A_216 : vector<1x16xf32> to vector<16xf32>
    %add3A_218 = arith.addf %add3A_212, %get3A_217 : vector<16xf32>
    %neg3A_219 = arith.constant 0.000000e+00 : f32
    %neg3A_220 = vector.broadcast %neg3A_219 : f32 to vector<16xf32>
    %neg3A_221 = arith.subf %neg3A_220, %add3A_218 : vector<16xf32>
    %exp3A_222 = math.exp %neg3A_221 : vector<16xf32>
    %add3A_223 = arith.addf %broadcast_in_dim3A_183, %exp3A_222 : vector<16xf32>
    %div3A_224 = arith.divf %broadcast_in_dim3A_183, %add3A_223 : vector<16xf32>
    %swap3A_225 = arith.constant 16 : index
    %swap3A_226 = tpu.vector_load %arg13[%swap3A_225] {strides = array<i32>} : memref<512xf32, #tpu.memory_space<vmem>>, vector<16xf32>,
    %swap3A_227 = vector.shape_cast %swap3A_226 : vector<16xf32> to vector<16xf32>
    %swap3A_228 = vector.shape_cast %div3A_224 : vector<16xf32> to vector<16xf32>
    tpu.vector_store %arg13[%swap3A_225], %swap3A_228 {strides = array<i32>} : memref<512xf32, #tpu.memory_space<vmem>>, vector<16xf32>,
    %get3A_229 = arith.constant 32 : index
    %get3A_230 = tpu.vector_load %arg10[%get3A_229] {strides = array<i32>} : memref<512xf32, #tpu.memory_space<vmem>>, vector<16xf32>,
    %get3A_231 = vector.shape_cast %get3A_230 : vector<16xf32> to vector<16xf32>
    %get3A_232 = arith.constant 0 : i32
    %get3A_233 = arith.index_cast %get3A_232 : i32 to index
    %get3A_234 = arith.constant 32 : index
    %get3A_235 = tpu.vector_load %arg11[%get3A_233, %get3A_234] {strides = array<i32>} : memref<4x128xf32, #tpu.memory_space<vmem>>, vector<1x16xf32>,
    %get3A_236 = vector.shape_cast %get3A_235 : vector<1x16xf32> to vector<16xf32>
    %add3A_237 = arith.addf %get3A_231, %get3A_236 : vector<16xf32>
    %get3A_238 = arith.constant 0 : i32
    %get3A_239 = arith.index_cast %get3A_238 : i32 to index
    %get3A_240 = arith.constant 32 : index
    %get3A_241 = tpu.vector_load %arg12[%get3A_239, %get3A_240] {strides = array<i32>} : memref<4x128xf32, #tpu.memory_space<vmem>>, vector<1x16xf32>,
    %get3A_242 = vector.shape_cast %get3A_241 : vector<1x16xf32> to vector<16xf32>
    %add3A_243 = arith.addf %add3A_237, %get3A_242 : vector<16xf32>
    %neg3A_244 = arith.constant 0.000000e+00 : f32
    %neg3A_245 = vector.broadcast %neg3A_244 : f32 to vector<16xf32>
    %neg3A_246 = arith.subf %neg3A_245, %add3A_243 : vector<16xf32>
    %exp3A_247 = math.exp %neg3A_246 : vector<16xf32>
    %add3A_248 = arith.addf %broadcast_in_dim3A_183, %exp3A_247 : vector<16xf32>
    %div3A_249 = arith.divf %broadcast_in_dim3A_183, %add3A_248 : vector<16xf32>
    %swap3A_250 = arith.constant 32 : index
    %swap3A_251 = tpu.vector_load %arg13[%swap3A_250] {strides = array<i32>} : memref<512xf32, #tpu.memory_space<vmem>>, vector<16xf32>,
    %swap3A_252 = vector.shape_cast %swap3A_251 : vector<16xf32> to vector<16xf32>
    %swap3A_253 = vector.shape_cast %div3A_249 : vector<16xf32> to vector<16xf32>
    tpu.vector_store %arg13[%swap3A_250], %swap3A_253 {strides = array<i32>} : memref<512xf32, #tpu.memory_space<vmem>>, vector<16xf32>,
    %get3A_254 = arith.constant 48 : index
    %get3A_255 = tpu.vector_load %arg10[%get3A_254] {strides = array<i32>} : memref<512xf32, #tpu.memory_space<vmem>>, vector<16xf32>,
    %get3A_256 = vector.shape_cast %get3A_255 : vector<16xf32> to vector<16xf32>
    %get3A_257 = arith.constant 0 : i32
    %get3A_258 = arith.index_cast %get3A_257 : i32 to index
    %get3A_259 = arith.constant 48 : index
    %get3A_260 = tpu.vector_load %arg11[%get3A_258, %get3A_259] {strides = array<i32>} : memref<4x128xf32, #tpu.memory_space<vmem>>, vector<1x16xf32>,
    %get3A_261 = vector.shape_cast %get3A_260 : vector<1x16xf32> to vector<16xf32>
    %add3A_262 = arith.addf %get3A_256, %get3A_261 : vector<16xf32>
    %get3A_263 = arith.constant 0 : i32
    %get3A_264 = arith.index_cast %get3A_263 : i32 to index
    %get3A_265 = arith.constant 48 : index
    %get3A_266 = tpu.vector_load %arg12[%get3A_264, %get3A_265] {strides = array<i32>} : memref<4x128xf32, #tpu.memory_space<vmem>>, vector<1x16xf32>,
    %get3A_267 = vector.shape_cast %get3A_266 : vector<1x16xf32> to vector<16xf32>
    %add3A_268 = arith.addf %add3A_262, %get3A_267 : vector<16xf32>
    %neg3A_269 = arith.constant 0.000000e+00 : f32
    %neg3A_270 = vector.broadcast %neg3A_269 : f32 to vector<16xf32>
    %neg3A_271 = arith.subf %neg3A_270, %add3A_268 : vector<16xf32>
    %exp3A_272 = math.exp %neg3A_271 : vector<16xf32>
    %add3A_273 = arith.addf %broadcast_in_dim3A_183, %exp3A_272 : vector<16xf32>
    %div3A_274 = arith.divf %broadcast_in_dim3A_183, %add3A_273 : vector<16xf32>
    %swap3A_275 = arith.constant 48 : index
    %swap3A_276 = tpu.vector_load %arg13[%swap3A_275] {strides = array<i32>} : memref<512xf32, #tpu.memory_space<vmem>>, vector<16xf32>,
    %swap3A_277 = vector.shape_cast %swap3A_276 : vector<16xf32> to vector<16xf32>
    %swap3A_278 = vector.shape_cast %div3A_274 : vector<16xf32> to vector<16xf32>
    tpu.vector_store %arg13[%swap3A_275], %swap3A_278 {strides = array<i32>} : memref<512xf32, #tpu.memory_space<vmem>>, vector<16xf32>,
    %get3A_279 = arith.constant 64 : index
    %get3A_280 = tpu.vector_load %arg10[%get3A_279] {strides = array<i32>} : memref<512xf32, #tpu.memory_space<vmem>>, vector<16xf32>,
    %get3A_281 = vector.shape_cast %get3A_280 : vector<16xf32> to vector<16xf32>
    %get3A_282 = arith.constant 0 : i32
    %get3A_283 = arith.index_cast %get3A_282 : i32 to index
    %get3A_284 = arith.constant 64 : index
    %get3A_285 = tpu.vector_load %arg11[%get3A_283, %get3A_284] {strides = array<i32>} : memref<4x128xf32, #tpu.memory_space<vmem>>, vector<1x16xf32>,
    %get3A_286 = vector.shape_cast %get3A_285 : vector<1x16xf32> to vector<16xf32>
    %add3A_287 = arith.addf %get3A_281, %get3A_286 : vector<16xf32>
    %get3A_288 = arith.constant 0 : i32
    %get3A_289 = arith.index_cast %get3A_288 : i32 to index
    %get3A_290 = arith.constant 64 : index
    %get3A_291 = tpu.vector_load %arg12[%get3A_289, %get3A_290] {strides = array<i32>} : memref<4x128xf32, #tpu.memory_space<vmem>>, vector<1x16xf32>,
    %get3A_292 = vector.shape_cast %get3A_291 : vector<1x16xf32> to vector<16xf32>
    %add3A_293 = arith.addf %add3A_287, %get3A_292 : vector<16xf32>
    %neg3A_294 = arith.constant 0.000000e+00 : f32
    %neg3A_295 = vector.broadcast %neg3A_294 : f32 to vector<16xf32>
    %neg3A_296 = arith.subf %neg3A_295, %add3A_293 : vector<16xf32>
    %exp3A_297 = math.exp %neg3A_296 : vector<16xf32>
    %add3A_298 = arith.addf %broadcast_in_dim3A_183, %exp3A_297 : vector<16xf32>
    %div3A_299 = arith.divf %broadcast_in_dim3A_183, %add3A_298 : vector<16xf32>
    %swap3A_300 = arith.constant 64 : index
    %swap3A_301 = tpu.vector_load %arg13[%swap3A_300] {strides = array<i32>} : memref<512xf32, #tpu.memory_space<vmem>>, vector<16xf32>,
    %swap3A_302 = vector.shape_cast %swap3A_301 : vector<16xf32> to vector<16xf32>
    %swap3A_303 = vector.shape_cast %div3A_299 : vector<16xf32> to vector<16xf32>
    tpu.vector_store %arg13[%swap3A_300], %swap3A_303 {strides = array<i32>} : memref<512xf32, #tpu.memory_space<vmem>>, vector<16xf32>,
    %get3A_304 = arith.constant 80 : index
    %get3A_305 = tpu.vector_load %arg10[%get3A_304] {strides = array<i32>} : memref<512xf32, #tpu.memory_space<vmem>>, vector<16xf32>,
    %get3A_306 = vector.shape_cast %get3A_305 : vector<16xf32> to vector<16xf32>
    %get3A_307 = arith.constant 0 : i32
    %get3A_308 = arith.index_cast %get3A_307 : i32 to index
    %get3A_309 = arith.constant 80 : index
    %get3A_310 = tpu.vector_load %arg11[%get3A_308, %get3A_309] {strides = array<i32>} : memref<4x128xf32, #tpu.memory_space<vmem>>, vector<1x16xf32>,
    %get3A_311 = vector.shape_cast %get3A_310 : vector<1x16xf32> to vector<16xf32>
    %add3A_312 = arith.addf %get3A_306, %get3A_311 : vector<16xf32>
    %get3A_313 = arith.constant 0 : i32
    %get3A_314 = arith.index_cast %get3A_313 : i32 to index
    %get3A_315 = arith.constant 80 : index
    %get3A_316 = tpu.vector_load %arg12[%get3A_314, %get3A_315] {strides = array<i32>} : memref<4x128xf32, #tpu.memory_space<vmem>>, vector<1x16xf32>,
    %get3A_317 = vector.shape_cast %get3A_316 : vector<1x16xf32> to vector<16xf32>
    %add3A_318 = arith.addf %add3A_312, %get3A_317 : vector<16xf32>
    %neg3A_319 = arith.constant 0.000000e+00 : f32
    %neg3A_320 = vector.broadcast %neg3A_319 : f32 to vector<16xf32>
    %neg3A_321 = arith.subf %neg3A_320, %add3A_318 : vector<16xf32>
    %exp3A_322 = math.exp %neg3A_321 : vector<16xf32>
    %add3A_323 = arith.addf %broadcast_in_dim3A_183, %exp3A_322 : vector<16xf32>
    %div3A_324 = arith.divf %broadcast_in_dim3A_183, %add3A_323 : vector<16xf32>
    %swap3A_325 = arith.constant 80 : index
    %swap3A_326 = tpu.vector_load %arg13[%swap3A_325] {strides = array<i32>} : memref<512xf32, #tpu.memory_space<vmem>>, vector<16xf32>,
    %swap3A_327 = vector.shape_cast %swap3A_326 : vector<16xf32> to vector<16xf32>
    %swap3A_328 = vector.shape_cast %div3A_324 : vector<16xf32> to vector<16xf32>
    tpu.vector_store %arg13[%swap3A_325], %swap3A_328 {strides = array<i32>} : memref<512xf32, #tpu.memory_space<vmem>>, vector<16xf32>,
    %get3A_329 = arith.constant 96 : index
    %get3A_330 = tpu.vector_load %arg10[%get3A_329] {strides = array<i32>} : memref<512xf32, #tpu.memory_space<vmem>>, vector<16xf32>,
    %get3A_331 = vector.shape_cast %get3A_330 : vector<16xf32> to vector<16xf32>
    %get3A_332 = arith.constant 0 : i32
    %get3A_333 = arith.index_cast %get3A_332 : i32 to index
    %get3A_334 = arith.constant 96 : index
    %get3A_335 = tpu.vector_load %arg11[%get3A_333, %get3A_334] {strides = array<i32>} : memref<4x128xf32, #tpu.memory_space<vmem>>, vector<1x16xf32>,
    %get3A_336 = vector.shape_cast %get3A_335 : vector<1x16xf32> to vector<16xf32>
    %add3A_337 = arith.addf %get3A_331, %get3A_336 : vector<16xf32>
    %get3A_338 = arith.constant 0 : i32
    %get3A_339 = arith.index_cast %get3A_338 : i32 to index
    %get3A_340 = arith.constant 96 : index
    %get3A_341 = tpu.vector_load %arg12[%get3A_339, %get3A_340] {strides = array<i32>} : memref<4x128xf32, #tpu.memory_space<vmem>>, vector<1x16xf32>,
    %get3A_342 = vector.shape_cast %get3A_341 : vector<1x16xf32> to vector<16xf32>
    %add3A_343 = arith.addf %add3A_337, %get3A_342 : vector<16xf32>
    %neg3A_344 = arith.constant 0.000000e+00 : f32
    %neg3A_345 = vector.broadcast %neg3A_344 : f32 to vector<16xf32>
    %neg3A_346 = arith.subf %neg3A_345, %add3A_343 : vector<16xf32>
    %exp3A_347 = math.exp %neg3A_346 : vector<16xf32>
    %add3A_348 = arith.addf %broadcast_in_dim3A_183, %exp3A_347 : vector<16xf32>
    %div3A_349 = arith.divf %broadcast_in_dim3A_183, %add3A_348 : vector<16xf32>
    %swap3A_350 = arith.constant 96 : index
    %swap3A_351 = tpu.vector_load %arg13[%swap3A_350] {strides = array<i32>} : memref<512xf32, #tpu.memory_space<vmem>>, vector<16xf32>,
    %swap3A_352 = vector.shape_cast %swap3A_351 : vector<16xf32> to vector<16xf32>
    %swap3A_353 = vector.shape_cast %div3A_349 : vector<16xf32> to vector<16xf32>
    tpu.vector_store %arg13[%swap3A_350], %swap3A_353 {strides = array<i32>} : memref<512xf32, #tpu.memory_space<vmem>>, vector<16xf32>,
    %get3A_354 = arith.constant 112 : index
    %get3A_355 = tpu.vector_load %arg10[%get3A_354] {strides = array<i32>} : memref<512xf32, #tpu.memory_space<vmem>>, vector<16xf32>,
    %get3A_356 = vector.shape_cast %get3A_355 : vector<16xf32> to vector<16xf32>
    %get3A_357 = arith.constant 0 : i32
    %get3A_358 = arith.index_cast %get3A_357 : i32 to index
    %get3A_359 = arith.constant 112 : index
    %get3A_360 = tpu.vector_load %arg11[%get3A_358, %get3A_359] {strides = array<i32>} : memref<4x128xf32, #tpu.memory_space<vmem>>, vector<1x16xf32>,
    %get3A_361 = vector.shape_cast %get3A_360 : vector<1x16xf32> to vector<16xf32>
    %add3A_362 = arith.addf %get3A_356, %get3A_361 : vector<16xf32>
    %get3A_363 = arith.constant 0 : i32
    %get3A_364 = arith.index_cast %get3A_363 : i32 to index
    %get3A_365 = arith.constant 112 : index
    %get3A_366 = tpu.vector_load %arg12[%get3A_364, %get3A_365] {strides = array<i32>} : memref<4x128xf32, #tpu.memory_space<vmem>>, vector<1x16xf32>,
    %get3A_367 = vector.shape_cast %get3A_366 : vector<1x16xf32> to vector<16xf32>
    %add3A_368 = arith.addf %add3A_362, %get3A_367 : vector<16xf32>
    %neg3A_369 = arith.constant 0.000000e+00 : f32
    %neg3A_370 = vector.broadcast %neg3A_369 : f32 to vector<16xf32>
    %neg3A_371 = arith.subf %neg3A_370, %add3A_368 : vector<16xf32>
    %exp3A_372 = math.exp %neg3A_371 : vector<16xf32>
    %add3A_373 = arith.addf %broadcast_in_dim3A_183, %exp3A_372 : vector<16xf32>
    %div3A_374 = arith.divf %broadcast_in_dim3A_183, %add3A_373 : vector<16xf32>
    %swap3A_375 = arith.constant 112 : index
    %swap3A_376 = tpu.vector_load %arg13[%swap3A_375] {strides = array<i32>} : memref<512xf32, #tpu.memory_space<vmem>>, vector<16xf32>,
    %swap3A_377 = vector.shape_cast %swap3A_376 : vector<16xf32> to vector<16xf32>
    %swap3A_378 = vector.shape_cast %div3A_374 : vector<16xf32> to vector<16xf32>
    tpu.vector_store %arg13[%swap3A_375], %swap3A_378 {strides = array<i32>} : memref<512xf32, #tpu.memory_space<vmem>>, vector<16xf32>,
    %get3A_379 = arith.constant 128 : index
    %get3A_380 = tpu.vector_load %arg10[%get3A_379] {strides = array<i32>} : memref<512xf32, #tpu.memory_space<vmem>>, vector<16xf32>,
    %get3A_381 = vector.shape_cast %get3A_380 : vector<16xf32> to vector<16xf32>
    %get3A_382 = arith.constant 1 : i32
    %get3A_383 = arith.index_cast %get3A_382 : i32 to index
    %get3A_384 = arith.constant 0 : index
    %get3A_385 = tpu.vector_load %arg11[%get3A_383, %get3A_384] {strides = array<i32>} : memref<4x128xf32, #tpu.memory_space<vmem>>, vector<1x16xf32>,
    %get3A_386 = vector.shape_cast %get3A_385 : vector<1x16xf32> to vector<16xf32>
    %add3A_387 = arith.addf %get3A_381, %get3A_386 : vector<16xf32>
    %get3A_388 = arith.constant 1 : i32
    %get3A_389 = arith.index_cast %get3A_388 : i32 to index
    %get3A_390 = arith.constant 0 : index
    %get3A_391 = tpu.vector_load %arg12[%get3A_389, %get3A_390] {strides = array<i32>} : memref<4x128xf32, #tpu.memory_space<vmem>>, vector<1x16xf32>,
    %get3A_392 = vector.shape_cast %get3A_391 : vector<1x16xf32> to vector<16xf32>
    %add3A_393 = arith.addf %add3A_387, %get3A_392 : vector<16xf32>
    %neg3A_394 = arith.constant 0.000000e+00 : f32
    %neg3A_395 = vector.broadcast %neg3A_394 : f32 to vector<16xf32>
    %neg3A_396 = arith.subf %neg3A_395, %add3A_393 : vector<16xf32>
    %exp3A_397 = math.exp %neg3A_396 : vector<16xf32>
    %add3A_398 = arith.addf %broadcast_in_dim3A_183, %exp3A_397 : vector<16xf32>
    %div3A_399 = arith.divf %broadcast_in_dim3A_183, %add3A_398 : vector<16xf32>
    %swap3A_400 = arith.constant 128 : index
    %swap3A_401 = tpu.vector_load %arg13[%swap3A_400] {strides = array<i32>} : memref<512xf32, #tpu.memory_space<vmem>>, vector<16xf32>,
    %swap3A_402 = vector.shape_cast %swap3A_401 : vector<16xf32> to vector<16xf32>
    %swap3A_403 = vector.shape_cast %div3A_399 : vector<16xf32> to vector<16xf32>
    tpu.vector_store %arg13[%swap3A_400], %swap3A_403 {strides = array<i32>} : memref<512xf32, #tpu.memory_space<vmem>>, vector<16xf32>,
    %get3A_404 = arith.constant 144 : index
    %get3A_405 = tpu.vector_load %arg10[%get3A_404] {strides = array<i32>} : memref<512xf32, #tpu.memory_space<vmem>>, vector<16xf32>,
    %get3A_406 = vector.shape_cast %get3A_405 : vector<16xf32> to vector<16xf32>
    %get3A_407 = arith.constant 1 : i32
    %get3A_408 = arith.index_cast %get3A_407 : i32 to index
    %get3A_409 = arith.constant 16 : index
    %get3A_410 = tpu.vector_load %arg11[%get3A_408, %get3A_409] {strides = array<i32>} : memref<4x128xf32, #tpu.memory_space<vmem>>, vector<1x16xf32>,
    %get3A_411 = vector.shape_cast %get3A_410 : vector<1x16xf32> to vector<16xf32>
    %add3A_412 = arith.addf %get3A_406, %get3A_411 : vector<16xf32>
    %get3A_413 = arith.constant 1 : i32
    %get3A_414 = arith.index_cast %get3A_413 : i32 to index
    %get3A_415 = arith.constant 16 : index
    %get3A_416 = tpu.vector_load %arg12[%get3A_414, %get3A_415] {strides = array<i32>} : memref<4x128xf32, #tpu.memory_space<vmem>>, vector<1x16xf32>,
    %get3A_417 = vector.shape_cast %get3A_416 : vector<1x16xf32> to vector<16xf32>
    %add3A_418 = arith.addf %add3A_412, %get3A_417 : vector<16xf32>
    %neg3A_419 = arith.constant 0.000000e+00 : f32
    %neg3A_420 = vector.broadcast %neg3A_419 : f32 to vector<16xf32>
    %neg3A_421 = arith.subf %neg3A_420, %add3A_418 : vector<16xf32>
    %exp3A_422 = math.exp %neg3A_421 : vector<16xf32>
    %add3A_423 = arith.addf %broadcast_in_dim3A_183, %exp3A_422 : vector<16xf32>
    %div3A_424 = arith.divf %broadcast_in_dim3A_183, %add3A_423 : vector<16xf32>
    %swap3A_425 = arith.constant 144 : index
    %swap3A_426 = tpu.vector_load %arg13[%swap3A_425] {strides = array<i32>} : memref<512xf32, #tpu.memory_space<vmem>>, vector<16xf32>,
    %swap3A_427 = vector.shape_cast %swap3A_426 : vector<16xf32> to vector<16xf32>
    %swap3A_428 = vector.shape_cast %div3A_424 : vector<16xf32> to vector<16xf32>
    tpu.vector_store %arg13[%swap3A_425], %swap3A_428 {strides = array<i32>} : memref<512xf32, #tpu.memory_space<vmem>>, vector<16xf32>,
    %get3A_429 = arith.constant 160 : index
    %get3A_430 = tpu.vector_load %arg10[%get3A_429] {strides = array<i32>} : memref<512xf32, #tpu.memory_space<vmem>>, vector<16xf32>,
    %get3A_431 = vector.shape_cast %get3A_430 : vector<16xf32> to vector<16xf32>
    %get3A_432 = arith.constant 1 : i32
    %get3A_433 = arith.index_cast %get3A_432 : i32 to index
    %get3A_434 = arith.constant 32 : index
    %get3A_435 = tpu.vector_load %arg11[%get3A_433, %get3A_434] {strides = array<i32>} : memref<4x128xf32, #tpu.memory_space<vmem>>, vector<1x16xf32>,
    %get3A_436 = vector.shape_cast %get3A_435 : vector<1x16xf32> to vector<16xf32>
    %add3A_437 = arith.addf %get3A_431, %get3A_436 : vector<16xf32>
    %get3A_438 = arith.constant 1 : i32
    %get3A_439 = arith.index_cast %get3A_438 : i32 to index
    %get3A_440 = arith.constant 32 : index
    %get3A_441 = tpu.vector_load %arg12[%get3A_439, %get3A_440] {strides = array<i32>} : memref<4x128xf32, #tpu.memory_space<vmem>>, vector<1x16xf32>,
    %get3A_442 = vector.shape_cast %get3A_441 : vector<1x16xf32> to vector<16xf32>
    %add3A_443 = arith.addf %add3A_437, %get3A_442 : vector<16xf32>
    %neg3A_444 = arith.constant 0.000000e+00 : f32
    %neg3A_445 = vector.broadcast %neg3A_444 : f32 to vector<16xf32>
    %neg3A_446 = arith.subf %neg3A_445, %add3A_443 : vector<16xf32>
    %exp3A_447 = math.exp %neg3A_446 : vector<16xf32>
    %add3A_448 = arith.addf %broadcast_in_dim3A_183, %exp3A_447 : vector<16xf32>
    %div3A_449 = arith.divf %broadcast_in_dim3A_183, %add3A_448 : vector<16xf32>
    %swap3A_450 = arith.constant 160 : index
    %swap3A_451 = tpu.vector_load %arg13[%swap3A_450] {strides = array<i32>} : memref<512xf32, #tpu.memory_space<vmem>>, vector<16xf32>,
    %swap3A_452 = vector.shape_cast %swap3A_451 : vector<16xf32> to vector<16xf32>
    %swap3A_453 = vector.shape_cast %div3A_449 : vector<16xf32> to vector<16xf32>
    tpu.vector_store %arg13[%swap3A_450], %swap3A_453 {strides = array<i32>} : memref<512xf32, #tpu.memory_space<vmem>>, vector<16xf32>,
    %get3A_454 = arith.constant 176 : index
    %get3A_455 = tpu.vector_load %arg10[%get3A_454] {strides = array<i32>} : memref<512xf32, #tpu.memory_space<vmem>>, vector<16xf32>,
    %get3A_456 = vector.shape_cast %get3A_455 : vector<16xf32> to vector<16xf32>
    %get3A_457 = arith.constant 1 : i32
    %get3A_458 = arith.index_cast %get3A_457 : i32 to index
    %get3A_459 = arith.constant 48 : index
    %get3A_460 = tpu.vector_load %arg11[%get3A_458, %get3A_459] {strides = array<i32>} : memref<4x128xf32, #tpu.memory_space<vmem>>, vector<1x16xf32>,
    %get3A_461 = vector.shape_cast %get3A_460 : vector<1x16xf32> to vector<16xf32>
    %add3A_462 = arith.addf %get3A_456, %get3A_461 : vector<16xf32>
    %get3A_463 = arith.constant 1 : i32
    %get3A_464 = arith.index_cast %get3A_463 : i32 to index
    %get3A_465 = arith.constant 48 : index
    %get3A_466 = tpu.vector_load %arg12[%get3A_464, %get3A_465] {strides = array<i32>} : memref<4x128xf32, #tpu.memory_space<vmem>>, vector<1x16xf32>,
    %get3A_467 = vector.shape_cast %get3A_466 : vector<1x16xf32> to vector<16xf32>
    %add3A_468 = arith.addf %add3A_462, %get3A_467 : vector<16xf32>
    %neg3A_469 = arith.constant 0.000000e+00 : f32
    %neg3A_470 = vector.broadcast %neg3A_469 : f32 to vector<16xf32>
    %neg3A_471 = arith.subf %neg3A_470, %add3A_468 : vector<16xf32>
    %exp3A_472 = math.exp %neg3A_471 : vector<16xf32>
    %add3A_473 = arith.addf %broadcast_in_dim3A_183, %exp3A_472 : vector<16xf32>
    %div3A_474 = arith.divf %broadcast_in_dim3A_183, %add3A_473 : vector<16xf32>
    %swap3A_475 = arith.constant 176 : index
    %swap3A_476 = tpu.vector_load %arg13[%swap3A_475] {strides = array<i32>} : memref<512xf32, #tpu.memory_space<vmem>>, vector<16xf32>,
    %swap3A_477 = vector.shape_cast %swap3A_476 : vector<16xf32> to vector<16xf32>
    %swap3A_478 = vector.shape_cast %div3A_474 : vector<16xf32> to vector<16xf32>
    tpu.vector_store %arg13[%swap3A_475], %swap3A_478 {strides = array<i32>} : memref<512xf32, #tpu.memory_space<vmem>>, vector<16xf32>,
    %get3A_479 = arith.constant 192 : index
    %get3A_480 = tpu.vector_load %arg10[%get3A_479] {strides = array<i32>} : memref<512xf32, #tpu.memory_space<vmem>>, vector<16xf32>,
    %get3A_481 = vector.shape_cast %get3A_480 : vector<16xf32> to vector<16xf32>
    %get3A_482 = arith.constant 1 : i32
    %get3A_483 = arith.index_cast %get3A_482 : i32 to index
    %get3A_484 = arith.constant 64 : index
    %get3A_485 = tpu.vector_load %arg11[%get3A_483, %get3A_484] {strides = array<i32>} : memref<4x128xf32, #tpu.memory_space<vmem>>, vector<1x16xf32>,
    %get3A_486 = vector.shape_cast %get3A_485 : vector<1x16xf32> to vector<16xf32>
    %add3A_487 = arith.addf %get3A_481, %get3A_486 : vector<16xf32>
    %get3A_488 = arith.constant 1 : i32
    %get3A_489 = arith.index_cast %get3A_488 : i32 to index
    %get3A_490 = arith.constant 64 : index
    %get3A_491 = tpu.vector_load %arg12[%get3A_489, %get3A_490] {strides = array<i32>} : memref<4x128xf32, #tpu.memory_space<vmem>>, vector<1x16xf32>,
    %get3A_492 = vector.shape_cast %get3A_491 : vector<1x16xf32> to vector<16xf32>
    %add3A_493 = arith.addf %add3A_487, %get3A_492 : vector<16xf32>
    %neg3A_494 = arith.constant 0.000000e+00 : f32
    %neg3A_495 = vector.broadcast %neg3A_494 : f32 to vector<16xf32>
    %neg3A_496 = arith.subf %neg3A_495, %add3A_493 : vector<16xf32>
    %exp3A_497 = math.exp %neg3A_496 : vector<16xf32>
    %add3A_498 = arith.addf %broadcast_in_dim3A_183, %exp3A_497 : vector<16xf32>
    %div3A_499 = arith.divf %broadcast_in_dim3A_183, %add3A_498 : vector<16xf32>
    %swap3A_500 = arith.constant 192 : index
    %swap3A_501 = tpu.vector_load %arg13[%swap3A_500] {strides = array<i32>} : memref<512xf32, #tpu.memory_space<vmem>>, vector<16xf32>,
    %swap3A_502 = vector.shape_cast %swap3A_501 : vector<16xf32> to vector<16xf32>
    %swap3A_503 = vector.shape_cast %div3A_499 : vector<16xf32> to vector<16xf32>
    tpu.vector_store %arg13[%swap3A_500], %swap3A_503 {strides = array<i32>} : memref<512xf32, #tpu.memory_space<vmem>>, vector<16xf32>,
    %get3A_504 = arith.constant 208 : index
    %get3A_505 = tpu.vector_load %arg10[%get3A_504] {strides = array<i32>} : memref<512xf32, #tpu.memory_space<vmem>>, vector<16xf32>,
    %get3A_506 = vector.shape_cast %get3A_505 : vector<16xf32> to vector<16xf32>
    %get3A_507 = arith.constant 1 : i32
    %get3A_508 = arith.index_cast %get3A_507 : i32 to index
    %get3A_509 = arith.constant 80 : index
    %get3A_510 = tpu.vector_load %arg11[%get3A_508, %get3A_509] {strides = array<i32>} : memref<4x128xf32, #tpu.memory_space<vmem>>, vector<1x16xf32>,
    %get3A_511 = vector.shape_cast %get3A_510 : vector<1x16xf32> to vector<16xf32>
    %add3A_512 = arith.addf %get3A_506, %get3A_511 : vector<16xf32>
    %get3A_513 = arith.constant 1 : i32
    %get3A_514 = arith.index_cast %get3A_513 : i32 to index
    %get3A_515 = arith.constant 80 : index
    %get3A_516 = tpu.vector_load %arg12[%get3A_514, %get3A_515] {strides = array<i32>} : memref<4x128xf32, #tpu.memory_space<vmem>>, vector<1x16xf32>,
    %get3A_517 = vector.shape_cast %get3A_516 : vector<1x16xf32> to vector<16xf32>
    %add3A_518 = arith.addf %add3A_512, %get3A_517 : vector<16xf32>
    %neg3A_519 = arith.constant 0.000000e+00 : f32
    %neg3A_520 = vector.broadcast %neg3A_519 : f32 to vector<16xf32>
    %neg3A_521 = arith.subf %neg3A_520, %add3A_518 : vector<16xf32>
    %exp3A_522 = math.exp %neg3A_521 : vector<16xf32>
    %add3A_523 = arith.addf %broadcast_in_dim3A_183, %exp3A_522 : vector<16xf32>
    %div3A_524 = arith.divf %broadcast_in_dim3A_183, %add3A_523 : vector<16xf32>
    %swap3A_525 = arith.constant 208 : index
    %swap3A_526 = tpu.vector_load %arg13[%swap3A_525] {strides = array<i32>} : memref<512xf32, #tpu.memory_space<vmem>>, vector<16xf32>,
    %swap3A_527 = vector.shape_cast %swap3A_526 : vector<16xf32> to vector<16xf32>
    %swap3A_528 = vector.shape_cast %div3A_524 : vector<16xf32> to vector<16xf32>
    tpu.vector_store %arg13[%swap3A_525], %swap3A_528 {strides = array<i32>} : memref<512xf32, #tpu.memory_space<vmem>>, vector<16xf32>,
    %get3A_529 = arith.constant 224 : index
    %get3A_530 = tpu.vector_load %arg10[%get3A_529] {strides = array<i32>} : memref<512xf32, #tpu.memory_space<vmem>>, vector<16xf32>,
    %get3A_531 = vector.shape_cast %get3A_530 : vector<16xf32> to vector<16xf32>
    %get3A_532 = arith.constant 1 : i32
    %get3A_533 = arith.index_cast %get3A_532 : i32 to index
    %get3A_534 = arith.constant 96 : index
    %get3A_535 = tpu.vector_load %arg11[%get3A_533, %get3A_534] {strides = array<i32>} : memref<4x128xf32, #tpu.memory_space<vmem>>, vector<1x16xf32>,
    %get3A_536 = vector.shape_cast %get3A_535 : vector<1x16xf32> to vector<16xf32>
    %add3A_537 = arith.addf %get3A_531, %get3A_536 : vector<16xf32>
    %get3A_538 = arith.constant 1 : i32
    %get3A_539 = arith.index_cast %get3A_538 : i32 to index
    %get3A_540 = arith.constant 96 : index
    %get3A_541 = tpu.vector_load %arg12[%get3A_539, %get3A_540] {strides = array<i32>} : memref<4x128xf32, #tpu.memory_space<vmem>>, vector<1x16xf32>,
    %get3A_542 = vector.shape_cast %get3A_541 : vector<1x16xf32> to vector<16xf32>
    %add3A_543 = arith.addf %add3A_537, %get3A_542 : vector<16xf32>
    %neg3A_544 = arith.constant 0.000000e+00 : f32
    %neg3A_545 = vector.broadcast %neg3A_544 : f32 to vector<16xf32>
    %neg3A_546 = arith.subf %neg3A_545, %add3A_543 : vector<16xf32>
    %exp3A_547 = math.exp %neg3A_546 : vector<16xf32>
    %add3A_548 = arith.addf %broadcast_in_dim3A_183, %exp3A_547 : vector<16xf32>
    %div3A_549 = arith.divf %broadcast_in_dim3A_183, %add3A_548 : vector<16xf32>
    %swap3A_550 = arith.constant 224 : index
    %swap3A_551 = tpu.vector_load %arg13[%swap3A_550] {strides = array<i32>} : memref<512xf32, #tpu.memory_space<vmem>>, vector<16xf32>,
    %swap3A_552 = vector.shape_cast %swap3A_551 : vector<16xf32> to vector<16xf32>
    %swap3A_553 = vector.shape_cast %div3A_549 : vector<16xf32> to vector<16xf32>
    tpu.vector_store %arg13[%swap3A_550], %swap3A_553 {strides = array<i32>} : memref<512xf32, #tpu.memory_space<vmem>>, vector<16xf32>,
    %get3A_554 = arith.constant 240 : index
    %get3A_555 = tpu.vector_load %arg10[%get3A_554] {strides = array<i32>} : memref<512xf32, #tpu.memory_space<vmem>>, vector<16xf32>,
    %get3A_556 = vector.shape_cast %get3A_555 : vector<16xf32> to vector<16xf32>
    %get3A_557 = arith.constant 1 : i32
    %get3A_558 = arith.index_cast %get3A_557 : i32 to index
    %get3A_559 = arith.constant 112 : index
    %get3A_560 = tpu.vector_load %arg11[%get3A_558, %get3A_559] {strides = array<i32>} : memref<4x128xf32, #tpu.memory_space<vmem>>, vector<1x16xf32>,
    %get3A_561 = vector.shape_cast %get3A_560 : vector<1x16xf32> to vector<16xf32>
    %add3A_562 = arith.addf %get3A_556, %get3A_561 : vector<16xf32>
    %get3A_563 = arith.constant 1 : i32
    %get3A_564 = arith.index_cast %get3A_563 : i32 to index
    %get3A_565 = arith.constant 112 : index
    %get3A_566 = tpu.vector_load %arg12[%get3A_564, %get3A_565] {strides = array<i32>} : memref<4x128xf32, #tpu.memory_space<vmem>>, vector<1x16xf32>,
    %get3A_567 = vector.shape_cast %get3A_566 : vector<1x16xf32> to vector<16xf32>
    %add3A_568 = arith.addf %add3A_562, %get3A_567 : vector<16xf32>
    %neg3A_569 = arith.constant 0.000000e+00 : f32
    %neg3A_570 = vector.broadcast %neg3A_569 : f32 to vector<16xf32>
    %neg3A_571 = arith.subf %neg3A_570, %add3A_568 : vector<16xf32>
    %exp3A_572 = math.exp %neg3A_571 : vector<16xf32>
    %add3A_573 = arith.addf %broadcast_in_dim3A_183, %exp3A_572 : vector<16xf32>
    %div3A_574 = arith.divf %broadcast_in_dim3A_183, %add3A_573 : vector<16xf32>
    %swap3A_575 = arith.constant 240 : index
    %swap3A_576 = tpu.vector_load %arg13[%swap3A_575] {strides = array<i32>} : memref<512xf32, #tpu.memory_space<vmem>>, vector<16xf32>,
    %swap3A_577 = vector.shape_cast %swap3A_576 : vector<16xf32> to vector<16xf32>
    %swap3A_578 = vector.shape_cast %div3A_574 : vector<16xf32> to vector<16xf32>
    tpu.vector_store %arg13[%swap3A_575], %swap3A_578 {strides = array<i32>} : memref<512xf32, #tpu.memory_space<vmem>>, vector<16xf32>,
    %get3A_579 = arith.constant 256 : index
    %get3A_580 = tpu.vector_load %arg10[%get3A_579] {strides = array<i32>} : memref<512xf32, #tpu.memory_space<vmem>>, vector<16xf32>,
    %get3A_581 = vector.shape_cast %get3A_580 : vector<16xf32> to vector<16xf32>
    %get3A_582 = arith.constant 2 : i32
    %get3A_583 = arith.index_cast %get3A_582 : i32 to index
    %get3A_584 = arith.constant 0 : index
    %get3A_585 = tpu.vector_load %arg11[%get3A_583, %get3A_584] {strides = array<i32>} : memref<4x128xf32, #tpu.memory_space<vmem>>, vector<1x16xf32>,
    %get3A_586 = vector.shape_cast %get3A_585 : vector<1x16xf32> to vector<16xf32>
    %add3A_587 = arith.addf %get3A_581, %get3A_586 : vector<16xf32>
    %get3A_588 = arith.constant 2 : i32
    %get3A_589 = arith.index_cast %get3A_588 : i32 to index
    %get3A_590 = arith.constant 0 : index
    %get3A_591 = tpu.vector_load %arg12[%get3A_589, %get3A_590] {strides = array<i32>} : memref<4x128xf32, #tpu.memory_space<vmem>>, vector<1x16xf32>,
    %get3A_592 = vector.shape_cast %get3A_591 : vector<1x16xf32> to vector<16xf32>
    %add3A_593 = arith.addf %add3A_587, %get3A_592 : vector<16xf32>
    %neg3A_594 = arith.constant 0.000000e+00 : f32
    %neg3A_595 = vector.broadcast %neg3A_594 : f32 to vector<16xf32>
    %neg3A_596 = arith.subf %neg3A_595, %add3A_593 : vector<16xf32>
    %exp3A_597 = math.exp %neg3A_596 : vector<16xf32>
    %add3A_598 = arith.addf %broadcast_in_dim3A_183, %exp3A_597 : vector<16xf32>
    %div3A_599 = arith.divf %broadcast_in_dim3A_183, %add3A_598 : vector<16xf32>
    %swap3A_600 = arith.constant 256 : index
    %swap3A_601 = tpu.vector_load %arg13[%swap3A_600] {strides = array<i32>} : memref<512xf32, #tpu.memory_space<vmem>>, vector<16xf32>,
    %swap3A_602 = vector.shape_cast %swap3A_601 : vector<16xf32> to vector<16xf32>
    %swap3A_603 = vector.shape_cast %div3A_599 : vector<16xf32> to vector<16xf32>
    tpu.vector_store %arg13[%swap3A_600], %swap3A_603 {strides = array<i32>} : memref<512xf32, #tpu.memory_space<vmem>>, vector<16xf32>,
    %get3A_604 = arith.constant 272 : index
    %get3A_605 = tpu.vector_load %arg10[%get3A_604] {strides = array<i32>} : memref<512xf32, #tpu.memory_space<vmem>>, vector<16xf32>,
    %get3A_606 = vector.shape_cast %get3A_605 : vector<16xf32> to vector<16xf32>
    %get3A_607 = arith.constant 2 : i32
    %get3A_608 = arith.index_cast %get3A_607 : i32 to index
    %get3A_609 = arith.constant 16 : index
    %get3A_610 = tpu.vector_load %arg11[%get3A_608, %get3A_609] {strides = array<i32>} : memref<4x128xf32, #tpu.memory_space<vmem>>, vector<1x16xf32>,
    %get3A_611 = vector.shape_cast %get3A_610 : vector<1x16xf32> to vector<16xf32>
    %add3A_612 = arith.addf %get3A_606, %get3A_611 : vector<16xf32>
    %get3A_613 = arith.constant 2 : i32
    %get3A_614 = arith.index_cast %get3A_613 : i32 to index
    %get3A_615 = arith.constant 16 : index
    %get3A_616 = tpu.vector_load %arg12[%get3A_614, %get3A_615] {strides = array<i32>} : memref<4x128xf32, #tpu.memory_space<vmem>>, vector<1x16xf32>,
    %get3A_617 = vector.shape_cast %get3A_616 : vector<1x16xf32> to vector<16xf32>
    %add3A_618 = arith.addf %add3A_612, %get3A_617 : vector<16xf32>
    %neg3A_619 = arith.constant 0.000000e+00 : f32
    %neg3A_620 = vector.broadcast %neg3A_619 : f32 to vector<16xf32>
    %neg3A_621 = arith.subf %neg3A_620, %add3A_618 : vector<16xf32>
    %exp3A_622 = math.exp %neg3A_621 : vector<16xf32>
    %add3A_623 = arith.addf %broadcast_in_dim3A_183, %exp3A_622 : vector<16xf32>
    %div3A_624 = arith.divf %broadcast_in_dim3A_183, %add3A_623 : vector<16xf32>
    %swap3A_625 = arith.constant 272 : index
    %swap3A_626 = tpu.vector_load %arg13[%swap3A_625] {strides = array<i32>} : memref<512xf32, #tpu.memory_space<vmem>>, vector<16xf32>,
    %swap3A_627 = vector.shape_cast %swap3A_626 : vector<16xf32> to vector<16xf32>
    %swap3A_628 = vector.shape_cast %div3A_624 : vector<16xf32> to vector<16xf32>
    tpu.vector_store %arg13[%swap3A_625], %swap3A_628 {strides = array<i32>} : memref<512xf32, #tpu.memory_space<vmem>>, vector<16xf32>,
    %get3A_629 = arith.constant 288 : index
    %get3A_630 = tpu.vector_load %arg10[%get3A_629] {strides = array<i32>} : memref<512xf32, #tpu.memory_space<vmem>>, vector<16xf32>,
    %get3A_631 = vector.shape_cast %get3A_630 : vector<16xf32> to vector<16xf32>
    %get3A_632 = arith.constant 2 : i32
    %get3A_633 = arith.index_cast %get3A_632 : i32 to index
    %get3A_634 = arith.constant 32 : index
    %get3A_635 = tpu.vector_load %arg11[%get3A_633, %get3A_634] {strides = array<i32>} : memref<4x128xf32, #tpu.memory_space<vmem>>, vector<1x16xf32>,
    %get3A_636 = vector.shape_cast %get3A_635 : vector<1x16xf32> to vector<16xf32>
    %add3A_637 = arith.addf %get3A_631, %get3A_636 : vector<16xf32>
    %get3A_638 = arith.constant 2 : i32
    %get3A_639 = arith.index_cast %get3A_638 : i32 to index
    %get3A_640 = arith.constant 32 : index
    %get3A_641 = tpu.vector_load %arg12[%get3A_639, %get3A_640] {strides = array<i32>} : memref<4x128xf32, #tpu.memory_space<vmem>>, vector<1x16xf32>,
    %get3A_642 = vector.shape_cast %get3A_641 : vector<1x16xf32> to vector<16xf32>
    %add3A_643 = arith.addf %add3A_637, %get3A_642 : vector<16xf32>
    %neg3A_644 = arith.constant 0.000000e+00 : f32
    %neg3A_645 = vector.broadcast %neg3A_644 : f32 to vector<16xf32>
    %neg3A_646 = arith.subf %neg3A_645, %add3A_643 : vector<16xf32>
    %exp3A_647 = math.exp %neg3A_646 : vector<16xf32>
    %add3A_648 = arith.addf %broadcast_in_dim3A_183, %exp3A_647 : vector<16xf32>
    %div3A_649 = arith.divf %broadcast_in_dim3A_183, %add3A_648 : vector<16xf32>
    %swap3A_650 = arith.constant 288 : index
    %swap3A_651 = tpu.vector_load %arg13[%swap3A_650] {strides = array<i32>} : memref<512xf32, #tpu.memory_space<vmem>>, vector<16xf32>,
    %swap3A_652 = vector.shape_cast %swap3A_651 : vector<16xf32> to vector<16xf32>
    %swap3A_653 = vector.shape_cast %div3A_649 : vector<16xf32> to vector<16xf32>
    tpu.vector_store %arg13[%swap3A_650], %swap3A_653 {strides = array<i32>} : memref<512xf32, #tpu.memory_space<vmem>>, vector<16xf32>,
    %get3A_654 = arith.constant 304 : index
    %get3A_655 = tpu.vector_load %arg10[%get3A_654] {strides = array<i32>} : memref<512xf32, #tpu.memory_space<vmem>>, vector<16xf32>,
    %get3A_656 = vector.shape_cast %get3A_655 : vector<16xf32> to vector<16xf32>
    %get3A_657 = arith.constant 2 : i32
    %get3A_658 = arith.index_cast %get3A_657 : i32 to index
    %get3A_659 = arith.constant 48 : index
    %get3A_660 = tpu.vector_load %arg11[%get3A_658, %get3A_659] {strides = array<i32>} : memref<4x128xf32, #tpu.memory_space<vmem>>, vector<1x16xf32>,
    %get3A_661 = vector.shape_cast %get3A_660 : vector<1x16xf32> to vector<16xf32>
    %add3A_662 = arith.addf %get3A_656, %get3A_661 : vector<16xf32>
    %get3A_663 = arith.constant 2 : i32
    %get3A_664 = arith.index_cast %get3A_663 : i32 to index
    %get3A_665 = arith.constant 48 : index
    %get3A_666 = tpu.vector_load %arg12[%get3A_664, %get3A_665] {strides = array<i32>} : memref<4x128xf32, #tpu.memory_space<vmem>>, vector<1x16xf32>,
    %get3A_667 = vector.shape_cast %get3A_666 : vector<1x16xf32> to vector<16xf32>
    %add3A_668 = arith.addf %add3A_662, %get3A_667 : vector<16xf32>
    %neg3A_669 = arith.constant 0.000000e+00 : f32
    %neg3A_670 = vector.broadcast %neg3A_669 : f32 to vector<16xf32>
    %neg3A_671 = arith.subf %neg3A_670, %add3A_668 : vector<16xf32>
    %exp3A_672 = math.exp %neg3A_671 : vector<16xf32>
    %add3A_673 = arith.addf %broadcast_in_dim3A_183, %exp3A_672 : vector<16xf32>
    %div3A_674 = arith.divf %broadcast_in_dim3A_183, %add3A_673 : vector<16xf32>
    %swap3A_675 = arith.constant 304 : index
    %swap3A_676 = tpu.vector_load %arg13[%swap3A_675] {strides = array<i32>} : memref<512xf32, #tpu.memory_space<vmem>>, vector<16xf32>,
    %swap3A_677 = vector.shape_cast %swap3A_676 : vector<16xf32> to vector<16xf32>
    %swap3A_678 = vector.shape_cast %div3A_674 : vector<16xf32> to vector<16xf32>
    tpu.vector_store %arg13[%swap3A_675], %swap3A_678 {strides = array<i32>} : memref<512xf32, #tpu.memory_space<vmem>>, vector<16xf32>,
    %get3A_679 = arith.constant 320 : index
    %get3A_680 = tpu.vector_load %arg10[%get3A_679] {strides = array<i32>} : memref<512xf32, #tpu.memory_space<vmem>>, vector<16xf32>,
    %get3A_681 = vector.shape_cast %get3A_680 : vector<16xf32> to vector<16xf32>
    %get3A_682 = arith.constant 2 : i32
    %get3A_683 = arith.index_cast %get3A_682 : i32 to index
    %get3A_684 = arith.constant 64 : index
    %get3A_685 = tpu.vector_load %arg11[%get3A_683, %get3A_684] {strides = array<i32>} : memref<4x128xf32, #tpu.memory_space<vmem>>, vector<1x16xf32>,
    %get3A_686 = vector.shape_cast %get3A_685 : vector<1x16xf32> to vector<16xf32>
    %add3A_687 = arith.addf %get3A_681, %get3A_686 : vector<16xf32>
    %get3A_688 = arith.constant 2 : i32
    %get3A_689 = arith.index_cast %get3A_688 : i32 to index
    %get3A_690 = arith.constant 64 : index
    %get3A_691 = tpu.vector_load %arg12[%get3A_689, %get3A_690] {strides = array<i32>} : memref<4x128xf32, #tpu.memory_space<vmem>>, vector<1x16xf32>,
    %get3A_692 = vector.shape_cast %get3A_691 : vector<1x16xf32> to vector<16xf32>
    %add3A_693 = arith.addf %add3A_687, %get3A_692 : vector<16xf32>
    %neg3A_694 = arith.constant 0.000000e+00 : f32
    %neg3A_695 = vector.broadcast %neg3A_694 : f32 to vector<16xf32>
    %neg3A_696 = arith.subf %neg3A_695, %add3A_693 : vector<16xf32>
    %exp3A_697 = math.exp %neg3A_696 : vector<16xf32>
    %add3A_698 = arith.addf %broadcast_in_dim3A_183, %exp3A_697 : vector<16xf32>
    %div3A_699 = arith.divf %broadcast_in_dim3A_183, %add3A_698 : vector<16xf32>
    %swap3A_700 = arith.constant 320 : index
    %swap3A_701 = tpu.vector_load %arg13[%swap3A_700] {strides = array<i32>} : memref<512xf32, #tpu.memory_space<vmem>>, vector<16xf32>,
    %swap3A_702 = vector.shape_cast %swap3A_701 : vector<16xf32> to vector<16xf32>
    %swap3A_703 = vector.shape_cast %div3A_699 : vector<16xf32> to vector<16xf32>
    tpu.vector_store %arg13[%swap3A_700], %swap3A_703 {strides = array<i32>} : memref<512xf32, #tpu.memory_space<vmem>>, vector<16xf32>,
    %get3A_704 = arith.constant 336 : index
    %get3A_705 = tpu.vector_load %arg10[%get3A_704] {strides = array<i32>} : memref<512xf32, #tpu.memory_space<vmem>>, vector<16xf32>,
    %get3A_706 = vector.shape_cast %get3A_705 : vector<16xf32> to vector<16xf32>
    %get3A_707 = arith.constant 2 : i32
    %get3A_708 = arith.index_cast %get3A_707 : i32 to index
    %get3A_709 = arith.constant 80 : index
    %get3A_710 = tpu.vector_load %arg11[%get3A_708, %get3A_709] {strides = array<i32>} : memref<4x128xf32, #tpu.memory_space<vmem>>, vector<1x16xf32>,
    %get3A_711 = vector.shape_cast %get3A_710 : vector<1x16xf32> to vector<16xf32>
    %add3A_712 = arith.addf %get3A_706, %get3A_711 : vector<16xf32>
    %get3A_713 = arith.constant 2 : i32
    %get3A_714 = arith.index_cast %get3A_713 : i32 to index
    %get3A_715 = arith.constant 80 : index
    %get3A_716 = tpu.vector_load %arg12[%get3A_714, %get3A_715] {strides = array<i32>} : memref<4x128xf32, #tpu.memory_space<vmem>>, vector<1x16xf32>,
    %get3A_717 = vector.shape_cast %get3A_716 : vector<1x16xf32> to vector<16xf32>
    %add3A_718 = arith.addf %add3A_712, %get3A_717 : vector<16xf32>
    %neg3A_719 = arith.constant 0.000000e+00 : f32
    %neg3A_720 = vector.broadcast %neg3A_719 : f32 to vector<16xf32>
    %neg3A_721 = arith.subf %neg3A_720, %add3A_718 : vector<16xf32>
    %exp3A_722 = math.exp %neg3A_721 : vector<16xf32>
    %add3A_723 = arith.addf %broadcast_in_dim3A_183, %exp3A_722 : vector<16xf32>
    %div3A_724 = arith.divf %broadcast_in_dim3A_183, %add3A_723 : vector<16xf32>
    %swap3A_725 = arith.constant 336 : index
    %swap3A_726 = tpu.vector_load %arg13[%swap3A_725] {strides = array<i32>} : memref<512xf32, #tpu.memory_space<vmem>>, vector<16xf32>,
    %swap3A_727 = vector.shape_cast %swap3A_726 : vector<16xf32> to vector<16xf32>
    %swap3A_728 = vector.shape_cast %div3A_724 : vector<16xf32> to vector<16xf32>
    tpu.vector_store %arg13[%swap3A_725], %swap3A_728 {strides = array<i32>} : memref<512xf32, #tpu.memory_space<vmem>>, vector<16xf32>,
    %get3A_729 = arith.constant 352 : index
    %get3A_730 = tpu.vector_load %arg10[%get3A_729] {strides = array<i32>} : memref<512xf32, #tpu.memory_space<vmem>>, vector<16xf32>,
    %get3A_731 = vector.shape_cast %get3A_730 : vector<16xf32> to vector<16xf32>
    %get3A_732 = arith.constant 2 : i32
    %get3A_733 = arith.index_cast %get3A_732 : i32 to index
    %get3A_734 = arith.constant 96 : index
    %get3A_735 = tpu.vector_load %arg11[%get3A_733, %get3A_734] {strides = array<i32>} : memref<4x128xf32, #tpu.memory_space<vmem>>, vector<1x16xf32>,
    %get3A_736 = vector.shape_cast %get3A_735 : vector<1x16xf32> to vector<16xf32>
    %add3A_737 = arith.addf %get3A_731, %get3A_736 : vector<16xf32>
    %get3A_738 = arith.constant 2 : i32
    %get3A_739 = arith.index_cast %get3A_738 : i32 to index
    %get3A_740 = arith.constant 96 : index
    %get3A_741 = tpu.vector_load %arg12[%get3A_739, %get3A_740] {strides = array<i32>} : memref<4x128xf32, #tpu.memory_space<vmem>>, vector<1x16xf32>,
    %get3A_742 = vector.shape_cast %get3A_741 : vector<1x16xf32> to vector<16xf32>
    %add3A_743 = arith.addf %add3A_737, %get3A_742 : vector<16xf32>
    %neg3A_744 = arith.constant 0.000000e+00 : f32
    %neg3A_745 = vector.broadcast %neg3A_744 : f32 to vector<16xf32>
    %neg3A_746 = arith.subf %neg3A_745, %add3A_743 : vector<16xf32>
    %exp3A_747 = math.exp %neg3A_746 : vector<16xf32>
    %add3A_748 = arith.addf %broadcast_in_dim3A_183, %exp3A_747 : vector<16xf32>
    %div3A_749 = arith.divf %broadcast_in_dim3A_183, %add3A_748 : vector<16xf32>
    %swap3A_750 = arith.constant 352 : index
    %swap3A_751 = tpu.vector_load %arg13[%swap3A_750] {strides = array<i32>} : memref<512xf32, #tpu.memory_space<vmem>>, vector<16xf32>,
    %swap3A_752 = vector.shape_cast %swap3A_751 : vector<16xf32> to vector<16xf32>
    %swap3A_753 = vector.shape_cast %div3A_749 : vector<16xf32> to vector<16xf32>
    tpu.vector_store %arg13[%swap3A_750], %swap3A_753 {strides = array<i32>} : memref<512xf32, #tpu.memory_space<vmem>>, vector<16xf32>,
    %get3A_754 = arith.constant 368 : index
    %get3A_755 = tpu.vector_load %arg10[%get3A_754] {strides = array<i32>} : memref<512xf32, #tpu.memory_space<vmem>>, vector<16xf32>,
    %get3A_756 = vector.shape_cast %get3A_755 : vector<16xf32> to vector<16xf32>
    %get3A_757 = arith.constant 2 : i32
    %get3A_758 = arith.index_cast %get3A_757 : i32 to index
    %get3A_759 = arith.constant 112 : index
    %get3A_760 = tpu.vector_load %arg11[%get3A_758, %get3A_759] {strides = array<i32>} : memref<4x128xf32, #tpu.memory_space<vmem>>, vector<1x16xf32>,
    %get3A_761 = vector.shape_cast %get3A_760 : vector<1x16xf32> to vector<16xf32>
    %add3A_762 = arith.addf %get3A_756, %get3A_761 : vector<16xf32>
    %get3A_763 = arith.constant 2 : i32
    %get3A_764 = arith.index_cast %get3A_763 : i32 to index
    %get3A_765 = arith.constant 112 : index
    %get3A_766 = tpu.vector_load %arg12[%get3A_764, %get3A_765] {strides = array<i32>} : memref<4x128xf32, #tpu.memory_space<vmem>>, vector<1x16xf32>,
    %get3A_767 = vector.shape_cast %get3A_766 : vector<1x16xf32> to vector<16xf32>
    %add3A_768 = arith.addf %add3A_762, %get3A_767 : vector<16xf32>
    %neg3A_769 = arith.constant 0.000000e+00 : f32
    %neg3A_770 = vector.broadcast %neg3A_769 : f32 to vector<16xf32>
    %neg3A_771 = arith.subf %neg3A_770, %add3A_768 : vector<16xf32>
    %exp3A_772 = math.exp %neg3A_771 : vector<16xf32>
    %add3A_773 = arith.addf %broadcast_in_dim3A_183, %exp3A_772 : vector<16xf32>
    %div3A_774 = arith.divf %broadcast_in_dim3A_183, %add3A_773 : vector<16xf32>
    %swap3A_775 = arith.constant 368 : index
    %swap3A_776 = tpu.vector_load %arg13[%swap3A_775] {strides = array<i32>} : memref<512xf32, #tpu.memory_space<vmem>>, vector<16xf32>,
    %swap3A_777 = vector.shape_cast %swap3A_776 : vector<16xf32> to vector<16xf32>
    %swap3A_778 = vector.shape_cast %div3A_774 : vector<16xf32> to vector<16xf32>
    tpu.vector_store %arg13[%swap3A_775], %swap3A_778 {strides = array<i32>} : memref<512xf32, #tpu.memory_space<vmem>>, vector<16xf32>,
    %get3A_779 = arith.constant 384 : index
    %get3A_780 = tpu.vector_load %arg10[%get3A_779] {strides = array<i32>} : memref<512xf32, #tpu.memory_space<vmem>>, vector<16xf32>,
    %get3A_781 = vector.shape_cast %get3A_780 : vector<16xf32> to vector<16xf32>
    %get3A_782 = arith.constant 3 : i32
    %get3A_783 = arith.index_cast %get3A_782 : i32 to index
    %get3A_784 = arith.constant 0 : index
    %get3A_785 = tpu.vector_load %arg11[%get3A_783, %get3A_784] {strides = array<i32>} : memref<4x128xf32, #tpu.memory_space<vmem>>, vector<1x16xf32>,
    %get3A_786 = vector.shape_cast %get3A_785 : vector<1x16xf32> to vector<16xf32>
    %add3A_787 = arith.addf %get3A_781, %get3A_786 : vector<16xf32>
    %get3A_788 = arith.constant 3 : i32
    %get3A_789 = arith.index_cast %get3A_788 : i32 to index
    %get3A_790 = arith.constant 0 : index
    %get3A_791 = tpu.vector_load %arg12[%get3A_789, %get3A_790] {strides = array<i32>} : memref<4x128xf32, #tpu.memory_space<vmem>>, vector<1x16xf32>,
    %get3A_792 = vector.shape_cast %get3A_791 : vector<1x16xf32> to vector<16xf32>
    %add3A_793 = arith.addf %add3A_787, %get3A_792 : vector<16xf32>
    %neg3A_794 = arith.constant 0.000000e+00 : f32
    %neg3A_795 = vector.broadcast %neg3A_794 : f32 to vector<16xf32>
    %neg3A_796 = arith.subf %neg3A_795, %add3A_793 : vector<16xf32>
    %exp3A_797 = math.exp %neg3A_796 : vector<16xf32>
    %add3A_798 = arith.addf %broadcast_in_dim3A_183, %exp3A_797 : vector<16xf32>
    %div3A_799 = arith.divf %broadcast_in_dim3A_183, %add3A_798 : vector<16xf32>
    %swap3A_800 = arith.constant 384 : index
    %swap3A_801 = tpu.vector_load %arg13[%swap3A_800] {strides = array<i32>} : memref<512xf32, #tpu.memory_space<vmem>>, vector<16xf32>,
    %swap3A_802 = vector.shape_cast %swap3A_801 : vector<16xf32> to vector<16xf32>
    %swap3A_803 = vector.shape_cast %div3A_799 : vector<16xf32> to vector<16xf32>
    tpu.vector_store %arg13[%swap3A_800], %swap3A_803 {strides = array<i32>} : memref<512xf32, #tpu.memory_space<vmem>>, vector<16xf32>,
    %get3A_804 = arith.constant 400 : index
    %get3A_805 = tpu.vector_load %arg10[%get3A_804] {strides = array<i32>} : memref<512xf32, #tpu.memory_space<vmem>>, vector<16xf32>,
    %get3A_806 = vector.shape_cast %get3A_805 : vector<16xf32> to vector<16xf32>
    %get3A_807 = arith.constant 3 : i32
    %get3A_808 = arith.index_cast %get3A_807 : i32 to index
    %get3A_809 = arith.constant 16 : index
    %get3A_810 = tpu.vector_load %arg11[%get3A_808, %get3A_809] {strides = array<i32>} : memref<4x128xf32, #tpu.memory_space<vmem>>, vector<1x16xf32>,
    %get3A_811 = vector.shape_cast %get3A_810 : vector<1x16xf32> to vector<16xf32>
    %add3A_812 = arith.addf %get3A_806, %get3A_811 : vector<16xf32>
    %get3A_813 = arith.constant 3 : i32
    %get3A_814 = arith.index_cast %get3A_813 : i32 to index
    %get3A_815 = arith.constant 16 : index
    %get3A_816 = tpu.vector_load %arg12[%get3A_814, %get3A_815] {strides = array<i32>} : memref<4x128xf32, #tpu.memory_space<vmem>>, vector<1x16xf32>,
    %get3A_817 = vector.shape_cast %get3A_816 : vector<1x16xf32> to vector<16xf32>
    %add3A_818 = arith.addf %add3A_812, %get3A_817 : vector<16xf32>
    %neg3A_819 = arith.constant 0.000000e+00 : f32
    %neg3A_820 = vector.broadcast %neg3A_819 : f32 to vector<16xf32>
    %neg3A_821 = arith.subf %neg3A_820, %add3A_818 : vector<16xf32>
    %exp3A_822 = math.exp %neg3A_821 : vector<16xf32>
    %add3A_823 = arith.addf %broadcast_in_dim3A_183, %exp3A_822 : vector<16xf32>
    %div3A_824 = arith.divf %broadcast_in_dim3A_183, %add3A_823 : vector<16xf32>
    %swap3A_825 = arith.constant 400 : index
    %swap3A_826 = tpu.vector_load %arg13[%swap3A_825] {strides = array<i32>} : memref<512xf32, #tpu.memory_space<vmem>>, vector<16xf32>,
    %swap3A_827 = vector.shape_cast %swap3A_826 : vector<16xf32> to vector<16xf32>
    %swap3A_828 = vector.shape_cast %div3A_824 : vector<16xf32> to vector<16xf32>
    tpu.vector_store %arg13[%swap3A_825], %swap3A_828 {strides = array<i32>} : memref<512xf32, #tpu.memory_space<vmem>>, vector<16xf32>,
    %get3A_829 = arith.constant 416 : index
    %get3A_830 = tpu.vector_load %arg10[%get3A_829] {strides = array<i32>} : memref<512xf32, #tpu.memory_space<vmem>>, vector<16xf32>,
    %get3A_831 = vector.shape_cast %get3A_830 : vector<16xf32> to vector<16xf32>
    %get3A_832 = arith.constant 3 : i32
    %get3A_833 = arith.index_cast %get3A_832 : i32 to index
    %get3A_834 = arith.constant 32 : index
    %get3A_835 = tpu.vector_load %arg11[%get3A_833, %get3A_834] {strides = array<i32>} : memref<4x128xf32, #tpu.memory_space<vmem>>, vector<1x16xf32>,
    %get3A_836 = vector.shape_cast %get3A_835 : vector<1x16xf32> to vector<16xf32>
    %add3A_837 = arith.addf %get3A_831, %get3A_836 : vector<16xf32>
    %get3A_838 = arith.constant 3 : i32
    %get3A_839 = arith.index_cast %get3A_838 : i32 to index
    %get3A_840 = arith.constant 32 : index
    %get3A_841 = tpu.vector_load %arg12[%get3A_839, %get3A_840] {strides = array<i32>} : memref<4x128xf32, #tpu.memory_space<vmem>>, vector<1x16xf32>,
    %get3A_842 = vector.shape_cast %get3A_841 : vector<1x16xf32> to vector<16xf32>
    %add3A_843 = arith.addf %add3A_837, %get3A_842 : vector<16xf32>
    %neg3A_844 = arith.constant 0.000000e+00 : f32
    %neg3A_845 = vector.broadcast %neg3A_844 : f32 to vector<16xf32>
    %neg3A_846 = arith.subf %neg3A_845, %add3A_843 : vector<16xf32>
    %exp3A_847 = math.exp %neg3A_846 : vector<16xf32>
    %add3A_848 = arith.addf %broadcast_in_dim3A_183, %exp3A_847 : vector<16xf32>
    %div3A_849 = arith.divf %broadcast_in_dim3A_183, %add3A_848 : vector<16xf32>
    %swap3A_850 = arith.constant 416 : index
    %swap3A_851 = tpu.vector_load %arg13[%swap3A_850] {strides = array<i32>} : memref<512xf32, #tpu.memory_space<vmem>>, vector<16xf32>,
    %swap3A_852 = vector.shape_cast %swap3A_851 : vector<16xf32> to vector<16xf32>
    %swap3A_853 = vector.shape_cast %div3A_849 : vector<16xf32> to vector<16xf32>
    tpu.vector_store %arg13[%swap3A_850], %swap3A_853 {strides = array<i32>} : memref<512xf32, #tpu.memory_space<vmem>>, vector<16xf32>,
    %get3A_854 = arith.constant 432 : index
    %get3A_855 = tpu.vector_load %arg10[%get3A_854] {strides = array<i32>} : memref<512xf32, #tpu.memory_space<vmem>>, vector<16xf32>,
    %get3A_856 = vector.shape_cast %get3A_855 : vector<16xf32> to vector<16xf32>
    %get3A_857 = arith.constant 3 : i32
    %get3A_858 = arith.index_cast %get3A_857 : i32 to index
    %get3A_859 = arith.constant 48 : index
    %get3A_860 = tpu.vector_load %arg11[%get3A_858, %get3A_859] {strides = array<i32>} : memref<4x128xf32, #tpu.memory_space<vmem>>, vector<1x16xf32>,
    %get3A_861 = vector.shape_cast %get3A_860 : vector<1x16xf32> to vector<16xf32>
    %add3A_862 = arith.addf %get3A_856, %get3A_861 : vector<16xf32>
    %get3A_863 = arith.constant 3 : i32
    %get3A_864 = arith.index_cast %get3A_863 : i32 to index
    %get3A_865 = arith.constant 48 : index
    %get3A_866 = tpu.vector_load %arg12[%get3A_864, %get3A_865] {strides = array<i32>} : memref<4x128xf32, #tpu.memory_space<vmem>>, vector<1x16xf32>,
    %get3A_867 = vector.shape_cast %get3A_866 : vector<1x16xf32> to vector<16xf32>
    %add3A_868 = arith.addf %add3A_862, %get3A_867 : vector<16xf32>
    %neg3A_869 = arith.constant 0.000000e+00 : f32
    %neg3A_870 = vector.broadcast %neg3A_869 : f32 to vector<16xf32>
    %neg3A_871 = arith.subf %neg3A_870, %add3A_868 : vector<16xf32>
    %exp3A_872 = math.exp %neg3A_871 : vector<16xf32>
    %add3A_873 = arith.addf %broadcast_in_dim3A_183, %exp3A_872 : vector<16xf32>
    %div3A_874 = arith.divf %broadcast_in_dim3A_183, %add3A_873 : vector<16xf32>
    %swap3A_875 = arith.constant 432 : index
    %swap3A_876 = tpu.vector_load %arg13[%swap3A_875] {strides = array<i32>} : memref<512xf32, #tpu.memory_space<vmem>>, vector<16xf32>,
    %swap3A_877 = vector.shape_cast %swap3A_876 : vector<16xf32> to vector<16xf32>
    %swap3A_878 = vector.shape_cast %div3A_874 : vector<16xf32> to vector<16xf32>
    tpu.vector_store %arg13[%swap3A_875], %swap3A_878 {strides = array<i32>} : memref<512xf32, #tpu.memory_space<vmem>>, vector<16xf32>,
    %get3A_879 = arith.constant 448 : index
    %get3A_880 = tpu.vector_load %arg10[%get3A_879] {strides = array<i32>} : memref<512xf32, #tpu.memory_space<vmem>>, vector<16xf32>,
    %get3A_881 = vector.shape_cast %get3A_880 : vector<16xf32> to vector<16xf32>
    %get3A_882 = arith.constant 3 : i32
    %get3A_883 = arith.index_cast %get3A_882 : i32 to index
    %get3A_884 = arith.constant 64 : index
    %get3A_885 = tpu.vector_load %arg11[%get3A_883, %get3A_884] {strides = array<i32>} : memref<4x128xf32, #tpu.memory_space<vmem>>, vector<1x16xf32>,
    %get3A_886 = vector.shape_cast %get3A_885 : vector<1x16xf32> to vector<16xf32>
    %add3A_887 = arith.addf %get3A_881, %get3A_886 : vector<16xf32>
    %get3A_888 = arith.constant 3 : i32
    %get3A_889 = arith.index_cast %get3A_888 : i32 to index
    %get3A_890 = arith.constant 64 : index
    %get3A_891 = tpu.vector_load %arg12[%get3A_889, %get3A_890] {strides = array<i32>} : memref<4x128xf32, #tpu.memory_space<vmem>>, vector<1x16xf32>,
    %get3A_892 = vector.shape_cast %get3A_891 : vector<1x16xf32> to vector<16xf32>
    %add3A_893 = arith.addf %add3A_887, %get3A_892 : vector<16xf32>
    %neg3A_894 = arith.constant 0.000000e+00 : f32
    %neg3A_895 = vector.broadcast %neg3A_894 : f32 to vector<16xf32>
    %neg3A_896 = arith.subf %neg3A_895, %add3A_893 : vector<16xf32>
    %exp3A_897 = math.exp %neg3A_896 : vector<16xf32>
    %add3A_898 = arith.addf %broadcast_in_dim3A_183, %exp3A_897 : vector<16xf32>
    %div3A_899 = arith.divf %broadcast_in_dim3A_183, %add3A_898 : vector<16xf32>
    %swap3A_900 = arith.constant 448 : index
    %swap3A_901 = tpu.vector_load %arg13[%swap3A_900] {strides = array<i32>} : memref<512xf32, #tpu.memory_space<vmem>>, vector<16xf32>,
    %swap3A_902 = vector.shape_cast %swap3A_901 : vector<16xf32> to vector<16xf32>
    %swap3A_903 = vector.shape_cast %div3A_899 : vector<16xf32> to vector<16xf32>
    tpu.vector_store %arg13[%swap3A_900], %swap3A_903 {strides = array<i32>} : memref<512xf32, #tpu.memory_space<vmem>>, vector<16xf32>,
    %get3A_904 = arith.constant 464 : index
    %get3A_905 = tpu.vector_load %arg10[%get3A_904] {strides = array<i32>} : memref<512xf32, #tpu.memory_space<vmem>>, vector<16xf32>,
    %get3A_906 = vector.shape_cast %get3A_905 : vector<16xf32> to vector<16xf32>
    %get3A_907 = arith.constant 3 : i32
    %get3A_908 = arith.index_cast %get3A_907 : i32 to index
    %get3A_909 = arith.constant 80 : index
    %get3A_910 = tpu.vector_load %arg11[%get3A_908, %get3A_909] {strides = array<i32>} : memref<4x128xf32, #tpu.memory_space<vmem>>, vector<1x16xf32>,
    %get3A_911 = vector.shape_cast %get3A_910 : vector<1x16xf32> to vector<16xf32>
    %add3A_912 = arith.addf %get3A_906, %get3A_911 : vector<16xf32>
    %get3A_913 = arith.constant 3 : i32
    %get3A_914 = arith.index_cast %get3A_913 : i32 to index
    %get3A_915 = arith.constant 80 : index
    %get3A_916 = tpu.vector_load %arg12[%get3A_914, %get3A_915] {strides = array<i32>} : memref<4x128xf32, #tpu.memory_space<vmem>>, vector<1x16xf32>,
    %get3A_917 = vector.shape_cast %get3A_916 : vector<1x16xf32> to vector<16xf32>
    %add3A_918 = arith.addf %add3A_912, %get3A_917 : vector<16xf32>
    %neg3A_919 = arith.constant 0.000000e+00 : f32
    %neg3A_920 = vector.broadcast %neg3A_919 : f32 to vector<16xf32>
    %neg3A_921 = arith.subf %neg3A_920, %add3A_918 : vector<16xf32>
    %exp3A_922 = math.exp %neg3A_921 : vector<16xf32>
    %add3A_923 = arith.addf %broadcast_in_dim3A_183, %exp3A_922 : vector<16xf32>
    %div3A_924 = arith.divf %broadcast_in_dim3A_183, %add3A_923 : vector<16xf32>
    %swap3A_925 = arith.constant 464 : index
    %swap3A_926 = tpu.vector_load %arg13[%swap3A_925] {strides = array<i32>} : memref<512xf32, #tpu.memory_space<vmem>>, vector<16xf32>,
    %swap3A_927 = vector.shape_cast %swap3A_926 : vector<16xf32> to vector<16xf32>
    %swap3A_928 = vector.shape_cast %div3A_924 : vector<16xf32> to vector<16xf32>
    tpu.vector_store %arg13[%swap3A_925], %swap3A_928 {strides = array<i32>} : memref<512xf32, #tpu.memory_space<vmem>>, vector<16xf32>,
    %get3A_929 = arith.constant 480 : index
    %get3A_930 = tpu.vector_load %arg10[%get3A_929] {strides = array<i32>} : memref<512xf32, #tpu.memory_space<vmem>>, vector<16xf32>,
    %get3A_931 = vector.shape_cast %get3A_930 : vector<16xf32> to vector<16xf32>
    %get3A_932 = arith.constant 3 : i32
    %get3A_933 = arith.index_cast %get3A_932 : i32 to index
    %get3A_934 = arith.constant 96 : index
    %get3A_935 = tpu.vector_load %arg11[%get3A_933, %get3A_934] {strides = array<i32>} : memref<4x128xf32, #tpu.memory_space<vmem>>, vector<1x16xf32>,
    %get3A_936 = vector.shape_cast %get3A_935 : vector<1x16xf32> to vector<16xf32>
    %add3A_937 = arith.addf %get3A_931, %get3A_936 : vector<16xf32>
    %get3A_938 = arith.constant 3 : i32
    %get3A_939 = arith.index_cast %get3A_938 : i32 to index
    %get3A_940 = arith.constant 96 : index
    %get3A_941 = tpu.vector_load %arg12[%get3A_939, %get3A_940] {strides = array<i32>} : memref<4x128xf32, #tpu.memory_space<vmem>>, vector<1x16xf32>,
    %get3A_942 = vector.shape_cast %get3A_941 : vector<1x16xf32> to vector<16xf32>
    %add3A_943 = arith.addf %add3A_937, %get3A_942 : vector<16xf32>
    %neg3A_944 = arith.constant 0.000000e+00 : f32
    %neg3A_945 = vector.broadcast %neg3A_944 : f32 to vector<16xf32>
    %neg3A_946 = arith.subf %neg3A_945, %add3A_943 : vector<16xf32>
    %exp3A_947 = math.exp %neg3A_946 : vector<16xf32>
    %add3A_948 = arith.addf %broadcast_in_dim3A_183, %exp3A_947 : vector<16xf32>
    %div3A_949 = arith.divf %broadcast_in_dim3A_183, %add3A_948 : vector<16xf32>
    %swap3A_950 = arith.constant 480 : index
    %swap3A_951 = tpu.vector_load %arg13[%swap3A_950] {strides = array<i32>} : memref<512xf32, #tpu.memory_space<vmem>>, vector<16xf32>,
    %swap3A_952 = vector.shape_cast %swap3A_951 : vector<16xf32> to vector<16xf32>
    %swap3A_953 = vector.shape_cast %div3A_949 : vector<16xf32> to vector<16xf32>
    tpu.vector_store %arg13[%swap3A_950], %swap3A_953 {strides = array<i32>} : memref<512xf32, #tpu.memory_space<vmem>>, vector<16xf32>,
    %get3A_954 = arith.constant 496 : index
    %get3A_955 = tpu.vector_load %arg10[%get3A_954] {strides = array<i32>} : memref<512xf32, #tpu.memory_space<vmem>>, vector<16xf32>,
    %get3A_956 = vector.shape_cast %get3A_955 : vector<16xf32> to vector<16xf32>
    %get3A_957 = arith.constant 3 : i32
    %get3A_958 = arith.index_cast %get3A_957 : i32 to index
    %get3A_959 = arith.constant 112 : index
    %get3A_960 = tpu.vector_load %arg11[%get3A_958, %get3A_959] {strides = array<i32>} : memref<4x128xf32, #tpu.memory_space<vmem>>, vector<1x16xf32>,
    %get3A_961 = vector.shape_cast %get3A_960 : vector<1x16xf32> to vector<16xf32>
    %add3A_962 = arith.addf %get3A_956, %get3A_961 : vector<16xf32>
    %get3A_963 = arith.constant 3 : i32
    %get3A_964 = arith.index_cast %get3A_963 : i32 to index
    %get3A_965 = arith.constant 112 : index
    %get3A_966 = tpu.vector_load %arg12[%get3A_964, %get3A_965] {strides = array<i32>} : memref<4x128xf32, #tpu.memory_space<vmem>>, vector<1x16xf32>,
    %get3A_967 = vector.shape_cast %get3A_966 : vector<1x16xf32> to vector<16xf32>
    %add3A_968 = arith.addf %add3A_962, %get3A_967 : vector<16xf32>
    %neg3A_969 = arith.constant 0.000000e+00 : f32
    %neg3A_970 = vector.broadcast %neg3A_969 : f32 to vector<16xf32>
    %neg3A_971 = arith.subf %neg3A_970, %add3A_968 : vector<16xf32>
    %exp3A_972 = math.exp %neg3A_971 : vector<16xf32>
    %add3A_973 = arith.addf %broadcast_in_dim3A_183, %exp3A_972 : vector<16xf32>
    %div3A_974 = arith.divf %broadcast_in_dim3A_183, %add3A_973 : vector<16xf32>
    %swap3A_975 = arith.constant 496 : index
    %swap3A_976 = tpu.vector_load %arg13[%swap3A_975] {strides = array<i32>} : memref<512xf32, #tpu.memory_space<vmem>>, vector<16xf32>,
    %swap3A_977 = vector.shape_cast %swap3A_976 : vector<16xf32> to vector<16xf32>
    %swap3A_978 = vector.shape_cast %div3A_974 : vector<16xf32> to vector<16xf32>
    tpu.vector_store %arg13[%swap3A_975], %swap3A_978 {strides = array<i32>} : memref<512xf32, #tpu.memory_space<vmem>>, vector<16xf32>,
    "tpu.region"() ({
      %run_scoped3A = tpu.sem_alloc : memref<!tpu.dma_semaphore, #tpu.memory_space<semaphore_mem>>
      %dma_start3A_979 = tpu.memref_slice %arg7[%mul3A_2] : memref<16384xf32, #tpu.memory_space<hbm>> -> memref<512xf32, #tpu.memory_space<hbm>>
      %dma_start3A_980 = tpu.memref_slice %arg7[%mul3A_2] : memref<16384xf32, #tpu.memory_space<hbm>> -> memref<512xf32, #tpu.memory_space<hbm>>
      tpu.enqueue_dma source(%arg13 : memref<512xf32, #tpu.memory_space<vmem>>) target(%dma_start3A_980 : memref<512xf32, #tpu.memory_space<hbm>>) target_semaphore(%run_scoped3A : memref<!tpu.dma_semaphore, #tpu.memory_space<semaphore_mem>>)
      %dma_wait3A_981 = tpu.memref_slice %arg7[%mul3A_2] : memref<16384xf32, #tpu.memory_space<hbm>> -> memref<512xf32, #tpu.memory_space<hbm>>
      %dma_wait3A_982 = tpu.memref_slice %arg7[%mul3A_2] : memref<16384xf32, #tpu.memory_space<hbm>> -> memref<512xf32, #tpu.memory_space<hbm>>
      tpu.wait_dma2 semaphore(%run_scoped3A : memref<!tpu.dma_semaphore, #tpu.memory_space<semaphore_mem>>) src(%arg13 : memref<512xf32, #tpu.memory_space<vmem>>) dst(%dma_wait3A_982 : memref<512xf32, #tpu.memory_space<hbm>>)
      tpu.yield
    }) : () -> ()
    return
  }
}

module attributes {stable_mosaic.version = 14 : i64} {
  func.func @_tc_proj_body(%arg0: i32, %arg1: memref<10x51200xf32, #tpu.memory_space<vmem>>, %arg2: memref<10x51200xf32, #tpu.memory_space<vmem>>, %arg3: memref<10x2xf32, #tpu.memory_space<vmem>>, %arg4: memref<16384xf32, #tpu.memory_space<vmem>>, %arg5: memref<2xf32, #tpu.memory_space<vmem>>, %arg6: memref<51200xf32, #tpu.memory_space<vmem>>, %arg7: memref<51200xf32, #tpu.memory_space<vmem>>, %arg8: memref<16384xf32, #tpu.memory_space<vmem>>) attributes {dimension_semantics = [#tpu.dimension_semantics<parallel>], iteration_bounds = array<i64: 2>, scalar_prefetch = 0 : i64, scratch_operands = 0 : i64, tpu.core_type = #tpu.core_type<tc>, window_params = [{transform_indices = @transform_0, window_bounds = array<i64: 10, 51200>}, {transform_indices = @transform_1, window_bounds = array<i64: 10, 51200>}, {pipeline_mode = #tpu.pipeline_mode<synchronous>, transform_indices = @transform_2, window_bounds = array<i64: 10, 2>}, {pipeline_mode = #tpu.pipeline_mode<synchronous>, transform_indices = @transform_3, window_bounds = array<i64: 16384>}, {pipeline_mode = #tpu.pipeline_mode<synchronous>, transform_indices = @transform_4, window_bounds = array<i64: 2>}, {transform_indices = @transform_5, window_bounds = array<i64: 51200>}, {transform_indices = @transform_6, window_bounds = array<i64: 51200>}, {pipeline_mode = #tpu.pipeline_mode<synchronous>, transform_indices = @transform_7, window_bounds = array<i64: 16384>}]} {
    %get3A = arith.constant 0 : index
    %get3A_0 = arith.constant 0 : index
    %get3A_1 = vector.load %arg3[%get3A, %get3A_0] : memref<10x2xf32, #tpu.memory_space<vmem>>, vector<10x2xf32>
    %get3A_2 = arith.constant 0 : index
    %get3A_3 = arith.constant 0 : index
    %get3A_4 = vector.load %arg1[%get3A_2, %get3A_3] : memref<10x51200xf32, #tpu.memory_space<vmem>>, vector<10x51200xf32>
    %dot_general3A = arith.constant dense<0.000000e+00> : vector<2x51200xf32>
    %dot_general3A_5 = tpu.matmul %get3A_1, %get3A_4, %dot_general3A {dimension_numbers = #tpu.dot_dimension_numbers<[0], [0], [1], [1], [0, 1, 1, 1], [], []>, transpose_lhs_hint = false} : vector<10x2xf32>, vector<10x51200xf32>, vector<2x51200xf32> -> vector<2x51200xf32>
    %slice3A = vector.extract_strided_slice %dot_general3A_5 {offsets = [0, 0], sizes = [1, 51200], strides = [1, 1]} : vector<2x51200xf32> to vector<1x51200xf32>
    %squeeze3A = vector.shape_cast %slice3A : vector<1x51200xf32> to vector<51200xf32>
    %swap3A = arith.constant 0 : index
    %swap3A_6 = vector.load %arg6[%swap3A] : memref<51200xf32, #tpu.memory_space<vmem>>, vector<51200xf32>
    tpu.vector_store %arg6[%swap3A], %squeeze3A {strides = array<i32>} : memref<51200xf32, #tpu.memory_space<vmem>>, vector<51200xf32>,
    %get3A_7 = arith.constant 0 : index
    %get3A_8 = arith.constant 0 : index
    %get3A_9 = vector.load %arg3[%get3A_7, %get3A_8] : memref<10x2xf32, #tpu.memory_space<vmem>>, vector<10x2xf32>
    %get3A_10 = arith.constant 0 : index
    %get3A_11 = arith.constant 0 : index
    %get3A_12 = vector.load %arg2[%get3A_10, %get3A_11] : memref<10x51200xf32, #tpu.memory_space<vmem>>, vector<10x51200xf32>
    %dot_general3A_13 = arith.constant dense<0.000000e+00> : vector<2x51200xf32>
    %dot_general3A_14 = tpu.matmul %get3A_9, %get3A_12, %dot_general3A_13 {dimension_numbers = #tpu.dot_dimension_numbers<[0], [0], [1], [1], [0, 1, 1, 1], [], []>, transpose_lhs_hint = false} : vector<10x2xf32>, vector<10x51200xf32>, vector<2x51200xf32> -> vector<2x51200xf32>
    %slice3A_15 = vector.extract_strided_slice %dot_general3A_14 {offsets = [1, 0], sizes = [1, 51200], strides = [1, 1]} : vector<2x51200xf32> to vector<1x51200xf32>
    %squeeze3A_16 = vector.shape_cast %slice3A_15 : vector<1x51200xf32> to vector<51200xf32>
    %swap3A_17 = arith.constant 0 : index
    %swap3A_18 = vector.load %arg7[%swap3A_17] : memref<51200xf32, #tpu.memory_space<vmem>>, vector<51200xf32>
    tpu.vector_store %arg7[%swap3A_17], %squeeze3A_16 {strides = array<i32>} : memref<51200xf32, #tpu.memory_space<vmem>>, vector<51200xf32>,
    %get3A_19 = arith.constant 0 : index
    %get3A_20 = vector.load %arg4[%get3A_19] : memref<16384xf32, #tpu.memory_space<vmem>>, vector<16384xf32>
    %get3A_21 = arith.constant 0 : index
    %get3A_22 = vector.load %arg5[%get3A_21] : memref<2xf32, #tpu.memory_space<vmem>>, vector<1xf32>
    %get3A_23 = vector.extract %get3A_22[0] : f32 from vector<1xf32>
    %mul3A = vector.broadcast %get3A_23 : f32 to vector<16384xf32>
    %mul3A_24 = arith.mulf %get3A_20, %mul3A : vector<16384xf32>
    %get3A_25 = arith.constant 1 : index
    %get3A_26 = vector.load %arg5[%get3A_25] : memref<2xf32, #tpu.memory_space<vmem>>, vector<1xf32>
    %get3A_27 = vector.extract %get3A_26[0] : f32 from vector<1xf32>
    %add3A = vector.broadcast %get3A_27 : f32 to vector<16384xf32>
    %add3A_28 = arith.addf %mul3A_24, %add3A : vector<16384xf32>
    %swap3A_29 = arith.constant 0 : index
    %swap3A_30 = vector.load %arg8[%swap3A_29] : memref<16384xf32, #tpu.memory_space<vmem>>, vector<16384xf32>
    tpu.vector_store %arg8[%swap3A_29], %add3A_28 {strides = array<i32>} : memref<16384xf32, #tpu.memory_space<vmem>>, vector<16384xf32>,
    return
  }
  func.func @transform_0(%arg0: i32) -> (i32, i32) {
    %c0_i32 = arith.constant 0 : i32
    %c0_i32_0 = arith.constant 0 : i32
    return %c0_i32, %arg0 : i32, i32
  }
  func.func @transform_1(%arg0: i32) -> (i32, i32) {
    %c0_i32 = arith.constant 0 : i32
    %c0_i32_0 = arith.constant 0 : i32
    return %c0_i32, %arg0 : i32, i32
  }
  func.func @transform_2(%arg0: i32) -> (i32, i32) {
    %c0_i32 = arith.constant 0 : i32
    %c0_i32_0 = arith.constant 0 : i32
    %c0_i32_1 = arith.constant 0 : i32
    return %c0_i32, %c0_i32_0 : i32, i32
  }
  func.func @transform_3(%arg0: i32) -> i32 {
    %c0_i32 = arith.constant 0 : i32
    %c0_i32_0 = arith.constant 0 : i32
    return %c0_i32 : i32
  }
  func.func @transform_4(%arg0: i32) -> i32 {
    %c0_i32 = arith.constant 0 : i32
    %c0_i32_0 = arith.constant 0 : i32
    return %c0_i32 : i32
  }
  func.func @transform_5(%arg0: i32) -> i32 {
    %c0_i32 = arith.constant 0 : i32
    return %arg0 : i32
  }
  func.func @transform_6(%arg0: i32) -> i32 {
    %c0_i32 = arith.constant 0 : i32
    return %arg0 : i32
  }
  func.func @transform_7(%arg0: i32) -> i32 {
    %c0_i32 = arith.constant 0 : i32
    %c0_i32_0 = arith.constant 0 : i32
    return %c0_i32 : i32
  }
}

</mosaic_0001>

<sc_bundles>
// kernel: kernel.4.cloned.1.call-start
scs
__scs_entry_jumppad:
0x0: {  	(pc) =	sbr.rel $0x88, $3  }
0x1: {  	(tag) =	ssettag $0x0;
	lr =	simm.s32 $0x1  }
0x2: {  	[smem:$0x3F9A] =	sst lr;
	_ =	strace $0xD0000000  }
0x3: {  	_ = 	snop  }
0x4: {  	_ = 	snop  }
0x5: {  	_ = 	snop  }
0x6: {  	_ = 	snop  }
0x7: {  	_ = 	snop  }
__scs_overlays_trampoline_lowered:
0x8: {  	[smem:$0x3FA9] =	sst s0  }
0x9: {  	[smem:$0x3FAA] =	sst s1  }
0xa: {  	[smem:$0x3FAB] =	sst s2  }
0xb: {  	[smem:$0x3FAC] =	sst s3  }
0xc: {  	[smem:$0x3FAD] =	sst s4  }
0xd: {  	[smem:$0x3FAE] =	sst s5  }
0xe: {  	[smem:$0x3FAF] =	sst s6  }
0xf: {  	[smem:$0x3FB0] =	sst s7  }
0x10: {  	[smem:$0x3FB1] =	sst s8  }
0x11: {  	[smem:$0x3FB2] =	sst s9;
	s0 =	simm.s32 @!p0 $0x0  }
0x12: {  	s1 =	sld [smem:$0x3F98];
	s0 =	simm.s32 @p0 $0x1  }
0x13: {  	[smem:$0x3FB3] =	sst s0;
	s0 =	simm.s32 @!p1 $0x0  }
0x14: {  	s2 =	sld [smem:$0x3F97];
	s0 =	simm.s32 @p1 $0x1  }
0x15: {  	[smem:$0x3FB4] =	sst s0;
	s0 =	simm.s32 @!p2 $0x0  }
0x16: {  	s3 =	sld [smem:$0x3FDB];
	s0 =	simm.s32 @p2 $0x1  }
0x17: {  	s4 =	simm.s32 $0x1BF5;
	[smem:$0x3FB6] =	sst s0  }
0x18: {  	s0 =	sld [smem:$0x3F99];
	_ =	swait.ge [sflag:s4], $0x0  }
0x19: {  	s7 =	sld [smem:$0x3F9A]  }
0x1a: {  	s8 =	sadd.s32 $0xFFFFE003, lr  }
0x1b: {  	s9 =	sadd.s32 $0xFFFFFEF7, lr;
	s5 =	simm.s32 $0xFFFFFFFF;
	p2 =	slt.u32 s8, $0xFFFFF086  }
0x1c: {  	p1 =	slt.u32 s9, $0xF7A;
	s5 =	simm.s32 @!p2 $0x0  }
0x1d: {  	s5 =	simm.s32 @p1 $0x1;
	p0 =	seq.s32 s7, s2  }
0x1e: {  	s7 =	smul.u32 @!p0 $0xF7A, s2;
	p2 =	seq.s32 @!p0 s5, $0x0  }
0x1f: {  	s9 =	smul.u32 $0xF7A, s1;
	s8 =	simm.s32 @!p0 $0x1BF5;
	p2 =	por !p2, p0  }
0x20: {  	[sflag:s8] =	ssyncset.s32 @!p0 $0xFFFFF086;
	s6 =	sadd.s32 @!p0 s3, s7;
	s7 =	simm.s32 @!p0 $0x108  }
0x21: {  	s3 =	sadd.s32 s3, s9;
	s6 =	sadd.s32 @!p0 $0x88, s6;
	s7 =	simm.s32 @p2 $0x1082  }
0x22: {  	[simem:s7], [sflag:s8] =	dma.local @!p0 [hbm:s6], $0xF7A  }
0x23: {  	s9 =	sor.u32 $0xD0000000, s2;
	s6 =	simm.s32 $0x108;
	_ =	swait.ge @!p0 [sflag:s8], $0x0  }
0x24: {  	s3 =	sadd.s32 $0x88, s3;
	s6 =	simm.s32 @!p1 $0x1082;
	[sflag:s4] =	ssyncset.s32 $0xFFFFF086  }
0x25: {  	[simem:s6], [sflag:s4] =	dma.local [hbm:s3], $0xF7A  }
0x26: {  	[smem:$0x3F9A] =	sst s1;
	(tag) =	ssettag s2;
	_ =	strace s9  }
0x27: {  	s1 =	sld [smem:$0x3FAA]  }
0x28: {  	s2 =	sld [smem:$0x3FAB]  }
0x29: {  	s4 =	sld [smem:$0x3FAD]  }
0x2a: {  	p0 =	seq.s32 s5, $0x0;
	s5 =	sld [smem:$0x3FAE]  }
0x2b: {  	s6 =	sld [smem:$0x3FAF]  }
0x2c: {  	s7 =	sld [smem:$0x3FB0]  }
0x2d: {  	s3 =	simm.s32 $0x108;
	s8 =	sld [smem:$0x3FB1]  }
0x2e: {  	s3 =	simm.s32 @!p0 $0x1082;
	s9 =	sld [smem:$0x3FB2]  }
0x2f: {  	lr =	sadd.s32 s0, s3;
	s0 =	sld [smem:$0x3FA9]  }
0x30: {  	s3 =	sld [smem:$0x3FAC]  }
0x31: {  	[smem:$0x3FB5] =	sst s10  }
0x32: {  	s10 =	sld [smem:$0x3FB3];
	_ =	sdelay $0x3  }
0x33: {  	p0 =	seq.s32 s10, $0x1;
	s10 =	sld [smem:$0x3FB5];
	_ =	sdelay $0x3  }
0x34: {  	[smem:$0x3FB5] =	sst s10  }
0x35: {  	s10 =	sld [smem:$0x3FB4];
	_ =	sdelay $0x3  }
0x36: {  	p1 =	seq.s32 s10, $0x1;
	s10 =	sld [smem:$0x3FB5];
	_ =	sdelay $0x3  }
0x37: {  	[smem:$0x3FB5] =	sst s10  }
0x38: {  	s10 =	sld [smem:$0x3FB6]  }
0x39: {  	_ = 	snop;
	(pc) =	sbr.ind lr, $3  }
0x3a: {  	_ = 	snop  }
0x3b: {  	_ = 	snop  }
0x3c: {  	p2 =	seq.s32 s10, $0x1;
	s10 =	sld [smem:$0x3FB5]  }
0x3d: {  	_ =	shalt  }
0x3e: {  	_ =	shalt  }
0x3f: {  	_ =	shalt  }
0x40: {  	_ =	shalt  }
0x41: {  	_ =	shalt  }
0x42: {  	_ =	shalt  }
0x43: {  	_ =	shalt  }
0x44: {  	_ =	shalt  }
0x45: {  	_ =	shalt  }
0x46: {  	_ =	shalt  }
0x47: {  	_ =	shalt  }
0x48: {  	_ =	shalt  }
0x49: {  	_ =	shalt  }
0x4a: {  	_ =	shalt  }
0x4b: {  	_ =	shalt  }
0x4c: {  	_ =	shalt  }
0x4d: {  	_ =	shalt  }
0x4e: {  	_ =	shalt  }
0x4f: {  	_ =	shalt  }
0x50: {  	_ =	shalt  }
0x51: {  	_ =	shalt  }
0x52: {  	_ =	shalt  }
0x53: {  	_ =	shalt  }
0x54: {  	_ =	shalt  }
0x55: {  	_ =	shalt  }
0x56: {  	_ =	shalt  }
0x57: {  	_ =	shalt  }
0x58: {  	_ =	shalt  }
0x59: {  	_ =	shalt  }
0x5a: {  	_ =	shalt  }
0x5b: {  	_ =	shalt  }
0x5c: {  	_ =	shalt  }
0x5d: {  	_ =	shalt  }
0x5e: {  	_ =	shalt  }
0x5f: {  	_ =	shalt  }
0x60: {  	_ =	shalt  }
0x61: {  	_ =	shalt  }
0x62: {  	_ =	shalt  }
0x63: {  	_ =	shalt  }
0x64: {  	_ =	shalt  }
0x65: {  	_ =	shalt  }
0x66: {  	_ =	shalt  }
0x67: {  	_ =	shalt  }
0x68: {  	_ =	shalt  }
0x69: {  	_ =	shalt  }
0x6a: {  	_ =	shalt  }
0x6b: {  	_ =	shalt  }
0x6c: {  	_ =	shalt  }
0x6d: {  	_ =	shalt  }
0x6e: {  	_ =	shalt  }
0x6f: {  	_ =	shalt  }
0x70: {  	_ =	shalt  }
0x71: {  	_ =	shalt  }
0x72: {  	_ =	shalt  }
0x73: {  	_ =	shalt  }
0x74: {  	_ =	shalt  }
0x75: {  	_ =	shalt  }
0x76: {  	_ =	shalt  }
0x77: {  	_ =	shalt  }
0x78: {  	_ =	shalt  }
0x79: {  	_ =	shalt  }
0x7a: {  	_ =	shalt  }
0x7b: {  	_ =	shalt  }
0x7c: {  	_ =	shalt  }
0x7d: {  	_ =	shalt  }
0x7e: {  	_ =	shalt  }
0x7f: {  	_ =	shalt  }
0x80: {  	_ =	shalt  }
0x81: {  	_ =	shalt  }
0x82: {  	_ =	shalt  }
0x83: {  	_ =	shalt  }
0x84: {  	_ =	shalt  }
0x85: {  	_ =	shalt  }
0x86: {  	_ =	shalt  }
0x87: {  	_ =	shalt  }
.Lfunc_end0:
.L_simem_size_0:
called_computation_lowered:
.L_overlay_start_0:
0x88: {  	s2 =	sld [smem:$0x3FD9]  }
0x89: {  	s3 =	sld [smem:$0x3FFE];
	_ =	sdelay $0x1  }
0x8a: {  	s1 =	srdreg.scid  }
0x8b: {  	s0 =	sand.u32 $0x1, s1  }
0x8c: {  	s17 =	sshll.u32 s0, $0xA;
	s2 =	sadd.s32 s3, s2  }
0x8d: {  	s2 =	sadd.s32 s2, s17  }
0x8e: {  	[smem:$0x3FC1] =	sst s2  }
0x8f: {  	_ = 	snop  }
0x90: {  	s2 =	sld [smem:$0x3FC9]  }
0x91: {  	s18 =	sld [smem:$0x3FC8]  }
0x92: {  	s4 =	sld [smem:$0x3FD0];
	(tm) =	ssettm $0x1  }
0x93: {  	s5 =	sld [smem:$0x3FFB];
	_ =	sdelay $0x3  }
0x94: {  	_ =	strace s5  }
0x95: {  	s5 =	sld [smem:$0x3FFC];
	_ =	sdelay $0x3  }
0x96: {  	_ =	strace s5  }
0x97: {  	s5 =	sld [smem:$0x3FFD];
	_ =	sdelay $0x3  }
0x98: {  	_ =	strace s5  }
0x99: {  	_ =	strace $0x8FFFFFFF  }
0x9a: {  	s19 =	sld [smem:$0x3FDB];
	_ =	sdelay $0x1  }
0x9b: {  	s6 =	simm.s32 $_scs_section_size  }
0x9c: {  	s7 =	simm.s32 $_size__tile_overlayer_lowered;
	s8 =	simm.s32 $_tile_overlayer_lowered  }
0x9d: {  	s22 =	simm.s32 $0x1BFF;
	s21 =	sshll.u32 s8, $0x1;
	s5 =	sadd.s32 s6, s19  }
0x9e: {  	s9 =	simm.s32 $0x0;
	s20 =	sshll.u32 s7, $0x1;
	s7 =	sadd.s32 s21, s5  }
0x9f: {  	[timem:s9], [sflag:s22] =	dma.local [hbm:s7], s20  }
0xa0: {  	_ =	swait.ge [sflag:s22], s20  }
0xa1: {  	s6 =	ssub.s32 $0x0, s20;
	[sflag:s22] =	ssyncset.done $0x0  }
0xa2: {  	[sflag:s22] =	ssyncadd.s32 s6;
	_ =	sdelay $0x1  }
0xa3: {  	s23 =	simm.s32 $0x1B8B  }
0xa4: {  	_ =	swait.ge [sflag:s23], $0x1  }
0xa5: {  	[sflag:s23] =	ssyncset.done $0x0  }
0xa6: {  	s25 =	simm.s32 $0x1B8E;
	s24 =	sld [smem:$0x3FFE];
	[sflag:s23] =	ssyncadd.s32 $0xFFFFFFFF  }
0xa7: {  	s26 =	simm.s32 $execute0_lowered;
	[smem:$0x3FD2] =	sst s25  }
0xa8: {  	s7 =	sshll.u32 s26, $0x1;
	_ =	strace $0x80000046;
	[dreg:$0x1] =	wrdreg $0xFFFFFFFF  }
0xa9: {  	s28 =	simm.s32 $_size_execute0_lowered;
	s5 =	sadd.s32 s5, s7;
	[dreg:$0x0] =	wrdreg $0x0  }
0xaa: {  	s7 =	sshll.u32 s28, $0x1;
	[dreg:$0x2] =	wrdreg s5  }
0xab: {  	[dreg:$0x3] =	wrdreg s7  }
0xac: {  	[dreg:$0x4] =	wrdreg $0xC0  }
0xad: {  	_ =	task [dreg:s9], $0x5FFFF  }
0xae: {  	[dreg:$0x1] =	wrdreg $0xFFFFFFFF  }
0xaf: {  	[dreg:$0x0] =	wrdreg $0x60  }
0xb0: {  	[dreg:$0x2] =	wrdreg s2  }
0xb1: {  	[dreg:$0x3] =	wrdreg s18  }
0xb2: {  	[dreg:$0x4] =	wrdreg s24  }
0xb3: {  	[dreg:$0x5] =	wrdreg s4  }
0xb4: {  	[dreg:$0x6] =	wrdreg $0x9  }
0xb5: {  	_ =	task.clear_ibuf [dreg:s9], $0x7FFFF;
	_ =	strace $0x90000046  }
0xb6: {  	s29 =	simm.s32 $0x9;
	_ =	strace $0x80000048  }
0xb7: {  	_ =	swait.ge [sflag:s29], $0x1  }
0xb8: {  	[sflag:s29] =	ssyncadd.s32 $0xFFFFFFFF  }
0xb9: {  	_ =	strace $0x90000048  }
0xba: {  	_ =	sfence  }
0xbb: {  	s30 =	sld [smem:$0x0];
	_ =	sdelay $0x2  }
0xbc: {  	s31 =	sshll.u32 s1, $0xD;
	s1 =	sshrl.u32 s1, $0x2  }
0xbd: {  	s3 =	sand.u32 $0x4000, s31;
	s1 =	sadd.s32 s1, s30  }
0xbe: {  	s0 =	sor.u32 s3, s0;
	s1 =	sshll.u32 s1, $0x11  }
0xbf: {  	s0 =	sor.u32 s1, s0  }
0xc0: {  	s0 =	sadd.s32 $0x8F2B, s0  }
0xc1: {  	[sflag:s0] =	ssyncadd.remote.s32 $0x1  }
0xc2: {  	_ =	sfence.sel $0xFFFF  }
0xc3: {  	[dreg:$0x0] =	wrdreg $0xFFFFFFFF;
	(pc) =	sbr.abs _section_cstart, $3  }
0xc4: {  	[dreg:$0x1] =	wrdreg $0xFFFFFFFF  }
0xc5: {  	_ =	task.clear_ibuf [dreg:s9], $0x2FFFF;
	_ =	strace $0x9FFFFFFF  }
0xc6: {  	(tm) =	ssettm $0x7FFFFFFF  }
0xc7: {  	_ =	shalt  }
tec
execute0_lowered:
.L_overlay_start_1:
0x0: {  	(tag) =	ssettag $0x1  }
0x1: {  	s5 =	rddreg [dreg:$0x0]  }
0x2: {  	s6 =	rddreg [dreg:$0x1]  }
0x3: {  	s4 =	rddreg [dreg:$0x2]  }
0x4: {  	s8 =	rddreg [dreg:$0x3]  }
0x5: {  	s0 =	rddreg [dreg:$0x4];
	s3 =	srdreg.scid  }
0x6: {  	s2 =	simm.s32 $0x0;
	s1 =	stileid.u32;
	s12 =	simm.s32 $0x1  }
0x7: {  	s13 =	simm.s32 $0x80;
	s14 =	simm.s32 $0x600;
	s15 =	simm.s32 $0x800  }
0x8: {  	s16 =	simm.s32 $0x680;
	s17 =	simm.s32 $0x280;
	s18 =	simm.s32 $0x880  }
0x9: {  	s19 =	simm.s32 $0x100;
	s20 =	simm.s32 $0x700;
	s21 =	simm.s32 $0x300  }
0xa: {  	s22 =	simm.s32 $0x900;
	s23 =	simm.s32 $0x180;
	s24 =	simm.s32 $0x780  }
0xb: {  	s25 =	simm.s32 $0x380;
	s26 =	simm.s32 $0x980;
	s28 =	simm.s32 $0x2  }
0xc: {  	s29 =	simm.s32 $0xA00;
	s30 =	simm.s32 $0x3;
	s3 =	sand.u32 $0x1, s3  }
0xd: {  	[smem:$0x7FF] =	sst s2;
	s7 =	sshll.u32 s1, $0x7;
	s9 =	sshll.u32 s3, $0x6  }
0xe: {  	_ =	strace $0x80000047;
	s31 =	ssub.s32 $0x2, s3;
	s9 =	sor.u32 s9, s7  }
0xf: {  	s3 =	sadd.s32 $0x1200, s4;
	s11 =	sshrl.u32 s31, $0x1;
	s10 =	sadd.s32 s9, s4  }
0x10: {  	s4 =	sadd.s32 $0x4400, s4;
	s11 =	ssub.s32 s31, s11;
	s5 =	sadd.s32 s5, s9  }
0x11: {  	s6 =	sadd.s32 s6, s9;
	s8 =	sadd.s32 s8, s9;
	s7 =	sadd.s32 $0x7600, s10  }
0x12: {  	s9 =	smax.u32 s11, $0x1;
	s10 =	simm.s32 $0x200;
	s11 =	simm.s32 $0x400  }
.LBB2_1:
0x13: {  	[tilespmem:s2], [sflag:$0x1] =	stream.linear.gather [hbm4b:s5+s2], $0x200, $0x38;
	[tilespmem:$0xC00] =	vst v63  }
0x14: {  	_ = 	snop  }
0x15: {  	[tilespmem:s10], [sflag:$0x1] =	stream.linear.gather [hbm4b:s6+s2], $0x200, $0x38;
	[tilespmem:$0xC00] =	vst v63  }
0x16: {  	_ = 	snop  }
0x17: {  	[tilespmem:s11], [sflag:$0x1] =	stream.linear.gather [hbm4b:s7+s2], $0x200, $0x38;
	[tilespmem:$0xC00] =	vst v63  }
0x18: {  	_ =	swait.ge [sflag:s12], $0x200  }
0x19: {  	[sflag:s12] =	ssyncset.done $0x0  }
0x1a: {  	[sflag:s12] =	ssyncadd.s32 $0xFFFFFE00  }
0x1b: {  	_ =	swait.ge [sflag:s12], $0x200  }
0x1c: {  	[sflag:s12] =	ssyncset.done $0x0  }
0x1d: {  	[sflag:s12] =	ssyncadd.s32 $0xFFFFFE00  }
0x1e: {  	[tilespmem:s14], [sflag:$0x2] =	stream.indirect.gather [hbm4b:s3+s13], $0x1, s2, s13, $0xb8;
	[tilespmem:$0xC00] =	vst v63  }
0x1f: {  	_ = 	snop  }
0x20: {  	[tilespmem:s15], [sflag:$0x2] =	stream.indirect.gather [hbm4b:s4+s13], $0x1, s10, s13, $0xb8;
	[tilespmem:$0xC00] =	vst v63  }
0x21: {  	_ = 	snop  }
0x22: {  	[tilespmem:s16], [sflag:$0x2] =	stream.indirect.gather [hbm4b:s3+s13], $0x1, s13, s13, $0xb8;
	[tilespmem:$0xC00] =	vst v63  }
0x23: {  	_ = 	snop  }
0x24: {  	[tilespmem:s18], [sflag:$0x2] =	stream.indirect.gather [hbm4b:s4+s13], $0x1, s17, s13, $0xb8;
	[tilespmem:$0xC00] =	vst v63  }
0x25: {  	_ = 	snop  }
0x26: {  	[tilespmem:s20], [sflag:$0x2] =	stream.indirect.gather [hbm4b:s3+s13], $0x1, s19, s13, $0xb8;
	[tilespmem:$0xC00] =	vst v63  }
0x27: {  	_ = 	snop  }
0x28: {  	[tilespmem:s22], [sflag:$0x2] =	stream.indirect.gather [hbm4b:s4+s13], $0x1, s21, s13, $0xb8;
	[tilespmem:$0xC00] =	vst v63  }
0x29: {  	_ = 	snop  }
0x2a: {  	[tilespmem:s24], [sflag:$0x2] =	stream.indirect.gather [hbm4b:s3+s13], $0x1, s23, s13, $0xb8;
	[tilespmem:$0xC00] =	vst v63  }
0x2b: {  	_ = 	snop  }
0x2c: {  	[tilespmem:s26], [sflag:$0x2] =	stream.indirect.gather [hbm4b:s4+s13], $0x1, s25, s13, $0xb8;
	[tilespmem:$0xC00] =	vst v63  }
0x2d: {  	_ =	swait.ge [sflag:s12], $0x200  }
0x2e: {  	[sflag:s12] =	ssyncset.done $0x0  }
0x2f: {  	[sflag:s12] =	ssyncadd.s32 $0xFFFFFE00  }
0x30: {  	_ =	swait.ge [sflag:s28], $0x80  }
0x31: {  	[sflag:s28] =	ssyncset.done $0x0  }
0x32: {  	[sflag:s28] =	ssyncadd.s32 $0xFFFFFF80  }
0x33: {  	_ =	swait.ge [sflag:s28], $0x80  }
0x34: {  	[sflag:s28] =	ssyncset.done $0x0  }
0x35: {  	[sflag:s28] =	ssyncadd.s32 $0xFFFFFF80  }
0x36: {  	_ =	swait.ge [sflag:s28], $0x80  }
0x37: {  	[sflag:s28] =	ssyncset.done $0x0  }
0x38: {  	[sflag:s28] =	ssyncadd.s32 $0xFFFFFF80  }
0x39: {  	_ =	swait.ge [sflag:s28], $0x80  }
0x3a: {  	[sflag:s28] =	ssyncset.done $0x0  }
0x3b: {  	[sflag:s28] =	ssyncadd.s32 $0xFFFFFF80  }
0x3c: {  	_ =	swait.ge [sflag:s28], $0x80  }
0x3d: {  	[sflag:s28] =	ssyncset.done $0x0  }
0x3e: {  	[sflag:s28] =	ssyncadd.s32 $0xFFFFFF80  }
0x3f: {  	_ =	swait.ge [sflag:s28], $0x80  }
0x40: {  	[sflag:s28] =	ssyncset.done $0x0  }
0x41: {  	[sflag:s28] =	ssyncadd.s32 $0xFFFFFF80  }
0x42: {  	_ =	swait.ge [sflag:s28], $0x80  }
0x43: {  	[sflag:s28] =	ssyncset.done $0x0  }
0x44: {  	[sflag:s28] =	ssyncadd.s32 $0xFFFFFF80  }
0x45: {  	_ =	swait.ge [sflag:s28], $0x80  }
0x46: {  	[sflag:s28] =	ssyncset.done $0x0  }
0x47: {  	[sflag:s28] =	ssyncadd.s32 $0xFFFFFF80  }
0x48: {  	v0 =	vld [tilespmem:$0x400]  }
0x49: {  	v1 =	vld [tilespmem:$0x600];
	_ =	sdelay $0x1  }
0x4a: {  	v2 =	vld [tilespmem:$0x800];
	_ =	sdelay $0x2  }
0x4b: {  	v0 =	vadd.f32 v1, v0;
	_ =	sdelay $0x1  }
0x4c: {  	v0 =	vadd.f32 v2, v0;
	_ =	sdelay $0x1  }
0x4d: {  	v0 =	vsub.f32 $0.0e+00, v0;
	_ =	sdelay $0x1  }
0x4e: {  	v0 =	vmul.f32 $1.442695020e+00, v0  }
0x4f: {  	v45 =	vld [tilespmem:$0x410]  }
0x50: {  	v46 =	vld [tilespmem:$0x610];
	(erf) = vpow2.f32 v0;
	_ =	sdelay $0x1  }
0x51: {  	v47 =	vld [tilespmem:$0x810];
	_ =	sdelay $0x2  }
0x52: {  	v0 =	vadd.f32 v46, v45;
	_ =	sdelay $0x1  }
0x53: {  	v0 =	vadd.f32 v47, v0;
	_ =	sdelay $0x1  }
0x54: {  	v0 =	vsub.f32 $0.0e+00, v0;
	v48 =	vpop (erf)  }
0x55: {  	v1 =	vadd.f32 $1.000000000e+00, v48  }
0x56: {  	v49 =	vld [tilespmem:$0x420];
	v0 =	vmul.f32 $1.442695020e+00, v0  }
0x57: {  	v50 =	vld [tilespmem:$0x620];
	(erf) = vrcp.f32 v1  }
0x58: {  	(erf) = vpow2.f32 v0;
	_ =	sdelay $0x1  }
0x59: {  	v51 =	vld [tilespmem:$0x820];
	_ =	sdelay $0x1  }
0x5a: {  	v0 =	vadd.f32 v50, v49;
	_ =	sdelay $0x2  }
0x5b: {  	v1 =	vadd.f32 v51, v0  }
0x5c: {  	v0 =	vpop (erf)  }
0x5d: {  	v1 =	vsub.f32 $0.0e+00, v1;
	v52 =	vpop (erf)  }
0x5e: {  	v2 =	vadd.f32 $1.000000000e+00, v52  }
0x5f: {  	v53 =	vld [tilespmem:$0x430];
	v1 =	vmul.f32 $1.442695020e+00, v1  }
0x60: {  	v54 =	vld [tilespmem:$0x630];
	(erf) = vrcp.f32 v2  }
0x61: {  	(erf) = vpow2.f32 v1;
	_ =	sdelay $0x1  }
0x62: {  	v3 =	vld [tilespmem:$0x830];
	_ =	sdelay $0x1  }
0x63: {  	v1 =	vadd.f32 v54, v53;
	_ =	sdelay $0x2  }
0x64: {  	v2 =	vadd.f32 v3, v1  }
0x65: {  	v1 =	vpop (erf)  }
0x66: {  	v2 =	vsub.f32 $0.0e+00, v2;
	v55 =	vpop (erf)  }
0x67: {  	v3 =	vadd.f32 $1.000000000e+00, v55  }
0x68: {  	v56 =	vld [tilespmem:$0x440];
	v2 =	vmul.f32 $1.442695020e+00, v2  }
0x69: {  	v57 =	vld [tilespmem:$0x640];
	(erf) = vrcp.f32 v3  }
0x6a: {  	(erf) = vpow2.f32 v2;
	_ =	sdelay $0x1  }
0x6b: {  	v4 =	vld [tilespmem:$0x840];
	_ =	sdelay $0x1  }
0x6c: {  	v2 =	vadd.f32 v57, v56;
	_ =	sdelay $0x2  }
0x6d: {  	v3 =	vadd.f32 v4, v2  }
0x6e: {  	v2 =	vpop (erf)  }
0x6f: {  	v3 =	vsub.f32 $0.0e+00, v3;
	v58 =	vpop (erf)  }
0x70: {  	v4 =	vadd.f32 $1.000000000e+00, v58  }
0x71: {  	v59 =	vld [tilespmem:$0x450];
	v3 =	vmul.f32 $1.442695020e+00, v3  }
0x72: {  	v60 =	vld [tilespmem:$0x650];
	(erf) = vrcp.f32 v4  }
0x73: {  	(erf) = vpow2.f32 v3;
	_ =	sdelay $0x1  }
0x74: {  	v5 =	vld [tilespmem:$0x850];
	_ =	sdelay $0x1  }
0x75: {  	v3 =	vadd.f32 v60, v59;
	_ =	sdelay $0x2  }
0x76: {  	v4 =	vadd.f32 v5, v3  }
0x77: {  	v3 =	vpop (erf)  }
0x78: {  	v4 =	vsub.f32 $0.0e+00, v4;
	v61 =	vpop (erf)  }
0x79: {  	v5 =	vadd.f32 $1.000000000e+00, v61  }
0x7a: {  	v62 =	vld [tilespmem:$0x460];
	v4 =	vmul.f32 $1.442695020e+00, v4  }
0x7b: {  	v63 =	vld [tilespmem:$0x660];
	(erf) = vrcp.f32 v5  }
0x7c: {  	(erf) = vpow2.f32 v4;
	_ =	sdelay $0x1  }
0x7d: {  	v6 =	vld [tilespmem:$0x860];
	_ =	sdelay $0x1  }
0x7e: {  	v4 =	vadd.f32 v63, v62;
	_ =	sdelay $0x2  }
0x7f: {  	v5 =	vadd.f32 v6, v4  }
0x80: {  	v4 =	vpop (erf)  }
0x81: {  	v5 =	vsub.f32 $0.0e+00, v5;
	v9 =	vpop (erf)  }
0x82: {  	v6 =	vadd.f32 $1.000000000e+00, v9  }
0x83: {  	v10 =	vld [tilespmem:$0x470];
	v5 =	vmul.f32 $1.442695020e+00, v5  }
0x84: {  	v11 =	vld [tilespmem:$0x670];
	(erf) = vrcp.f32 v6  }
0x85: {  	(erf) = vpow2.f32 v5;
	_ =	sdelay $0x1  }
0x86: {  	v7 =	vld [tilespmem:$0x870];
	_ =	sdelay $0x1  }
0x87: {  	v5 =	vadd.f32 v11, v10;
	_ =	sdelay $0x2  }
0x88: {  	v6 =	vadd.f32 v7, v5  }
0x89: {  	v5 =	vpop (erf)  }
0x8a: {  	v6 =	vsub.f32 $0.0e+00, v6;
	v12 =	vpop (erf)  }
0x8b: {  	v7 =	vadd.f32 $1.000000000e+00, v12  }
0x8c: {  	v13 =	vld [tilespmem:$0x480];
	v6 =	vmul.f32 $1.442695020e+00, v6  }
0x8d: {  	v14 =	vld [tilespmem:$0x680];
	(erf) = vrcp.f32 v7  }
0x8e: {  	(erf) = vpow2.f32 v6;
	_ =	sdelay $0x1  }
0x8f: {  	v8 =	vld [tilespmem:$0x880];
	_ =	sdelay $0x1  }
0x90: {  	v6 =	vadd.f32 v14, v13;
	_ =	sdelay $0x2  }
0x91: {  	v7 =	vadd.f32 v8, v6  }
0x92: {  	v6 =	vpop (erf)  }
0x93: {  	v7 =	vsub.f32 $0.0e+00, v7;
	v15 =	vpop (erf)  }
0x94: {  	v8 =	vadd.f32 $1.000000000e+00, v15  }
0x95: {  	v16 =	vld [tilespmem:$0x490];
	v7 =	vmul.f32 $1.442695020e+00, v7  }
0x96: {  	v17 =	vld [tilespmem:$0x690];
	(erf) = vrcp.f32 v8  }
0x97: {  	(erf) = vpow2.f32 v7;
	_ =	sdelay $0x1  }
0x98: {  	v9 =	vld [tilespmem:$0x890];
	_ =	sdelay $0x1  }
0x99: {  	v7 =	vadd.f32 v17, v16;
	_ =	sdelay $0x2  }
0x9a: {  	v8 =	vadd.f32 v9, v7  }
0x9b: {  	v7 =	vpop (erf)  }
0x9c: {  	v8 =	vsub.f32 $0.0e+00, v8;
	v18 =	vpop (erf)  }
0x9d: {  	v9 =	vadd.f32 $1.000000000e+00, v18  }
0x9e: {  	v19 =	vld [tilespmem:$0x4A0];
	v8 =	vmul.f32 $1.442695020e+00, v8  }
0x9f: {  	v20 =	vld [tilespmem:$0x6A0];
	(erf) = vrcp.f32 v9  }
0xa0: {  	(erf) = vpow2.f32 v8;
	_ =	sdelay $0x1  }
0xa1: {  	v10 =	vld [tilespmem:$0x8A0];
	_ =	sdelay $0x1  }
0xa2: {  	v8 =	vadd.f32 v20, v19;
	_ =	sdelay $0x2  }
0xa3: {  	v9 =	vadd.f32 v10, v8  }
0xa4: {  	v8 =	vpop (erf)  }
0xa5: {  	v9 =	vsub.f32 $0.0e+00, v9;
	v21 =	vpop (erf)  }
0xa6: {  	v10 =	vadd.f32 $1.000000000e+00, v21  }
0xa7: {  	v22 =	vld [tilespmem:$0x4B0];
	v9 =	vmul.f32 $1.442695020e+00, v9  }
0xa8: {  	v23 =	vld [tilespmem:$0x6B0];
	(erf) = vrcp.f32 v10  }
0xa9: {  	(erf) = vpow2.f32 v9;
	_ =	sdelay $0x1  }
0xaa: {  	v11 =	vld [tilespmem:$0x8B0];
	_ =	sdelay $0x1  }
0xab: {  	v9 =	vadd.f32 v23, v22;
	_ =	sdelay $0x2  }
0xac: {  	v10 =	vadd.f32 v11, v9  }
0xad: {  	v9 =	vpop (erf)  }
0xae: {  	v10 =	vsub.f32 $0.0e+00, v10;
	v24 =	vpop (erf)  }
0xaf: {  	v11 =	vadd.f32 $1.000000000e+00, v24  }
0xb0: {  	v25 =	vld [tilespmem:$0x4C0];
	v10 =	vmul.f32 $1.442695020e+00, v10  }
0xb1: {  	v26 =	vld [tilespmem:$0x6C0];
	(erf) = vrcp.f32 v11  }
0xb2: {  	(erf) = vpow2.f32 v10;
	_ =	sdelay $0x1  }
0xb3: {  	v12 =	vld [tilespmem:$0x8C0];
	_ =	sdelay $0x1  }
0xb4: {  	v10 =	vadd.f32 v26, v25;
	_ =	sdelay $0x2  }
0xb5: {  	v11 =	vadd.f32 v12, v10  }
0xb6: {  	v10 =	vpop (erf)  }
0xb7: {  	v11 =	vsub.f32 $0.0e+00, v11;
	v27 =	vpop (erf)  }
0xb8: {  	v12 =	vadd.f32 $1.000000000e+00, v27  }
0xb9: {  	v28 =	vld [tilespmem:$0x4D0];
	v11 =	vmul.f32 $1.442695020e+00, v11  }
0xba: {  	v29 =	vld [tilespmem:$0x6D0];
	(erf) = vrcp.f32 v12  }
0xbb: {  	(erf) = vpow2.f32 v11;
	_ =	sdelay $0x1  }
0xbc: {  	v13 =	vld [tilespmem:$0x8D0];
	_ =	sdelay $0x1  }
0xbd: {  	v11 =	vadd.f32 v29, v28;
	_ =	sdelay $0x2  }
0xbe: {  	v12 =	vadd.f32 v13, v11  }
0xbf: {  	v11 =	vpop (erf)  }
0xc0: {  	v12 =	vsub.f32 $0.0e+00, v12;
	v30 =	vpop (erf)  }
0xc1: {  	v13 =	vadd.f32 $1.000000000e+00, v30  }
0xc2: {  	v31 =	vld [tilespmem:$0x4E0];
	v12 =	vmul.f32 $1.442695020e+00, v12  }
0xc3: {  	v32 =	vld [tilespmem:$0x6E0];
	(erf) = vrcp.f32 v13  }
0xc4: {  	(erf) = vpow2.f32 v12;
	_ =	sdelay $0x1  }
0xc5: {  	v14 =	vld [tilespmem:$0x8E0];
	_ =	sdelay $0x1  }
0xc6: {  	v12 =	vadd.f32 v32, v31;
	_ =	sdelay $0x2  }
0xc7: {  	v13 =	vadd.f32 v14, v12  }
0xc8: {  	v12 =	vpop (erf)  }
0xc9: {  	v13 =	vsub.f32 $0.0e+00, v13;
	v33 =	vpop (erf)  }
0xca: {  	v14 =	vadd.f32 $1.000000000e+00, v33  }
0xcb: {  	v34 =	vld [tilespmem:$0x4F0];
	v13 =	vmul.f32 $1.442695020e+00, v13  }
0xcc: {  	v35 =	vld [tilespmem:$0x6F0];
	(erf) = vrcp.f32 v14  }
0xcd: {  	(erf) = vpow2.f32 v13;
	_ =	sdelay $0x1  }
0xce: {  	v15 =	vld [tilespmem:$0x8F0];
	_ =	sdelay $0x1  }
0xcf: {  	v13 =	vadd.f32 v35, v34;
	_ =	sdelay $0x2  }
0xd0: {  	v14 =	vadd.f32 v15, v13  }
0xd1: {  	v13 =	vpop (erf)  }
0xd2: {  	v14 =	vsub.f32 $0.0e+00, v14;
	v36 =	vpop (erf)  }
0xd3: {  	v15 =	vadd.f32 $1.000000000e+00, v36  }
0xd4: {  	v37 =	vld [tilespmem:$0x500];
	v14 =	vmul.f32 $1.442695020e+00, v14  }
0xd5: {  	v38 =	vld [tilespmem:$0x700];
	(erf) = vrcp.f32 v15  }
0xd6: {  	(erf) = vpow2.f32 v14;
	_ =	sdelay $0x1  }
0xd7: {  	v16 =	vld [tilespmem:$0x900];
	_ =	sdelay $0x1  }
0xd8: {  	v14 =	vadd.f32 v38, v37;
	_ =	sdelay $0x2  }
0xd9: {  	v15 =	vadd.f32 v16, v14  }
0xda: {  	v14 =	vpop (erf)  }
0xdb: {  	v15 =	vsub.f32 $0.0e+00, v15;
	v39 =	vpop (erf)  }
0xdc: {  	v16 =	vadd.f32 $1.000000000e+00, v39  }
0xdd: {  	v40 =	vld [tilespmem:$0x510];
	v15 =	vmul.f32 $1.442695020e+00, v15  }
0xde: {  	v41 =	vld [tilespmem:$0x710];
	(erf) = vrcp.f32 v16  }
0xdf: {  	(erf) = vpow2.f32 v15;
	_ =	sdelay $0x1  }
0xe0: {  	v17 =	vld [tilespmem:$0x910];
	_ =	sdelay $0x1  }
0xe1: {  	v15 =	vadd.f32 v41, v40;
	_ =	sdelay $0x2  }
0xe2: {  	v16 =	vadd.f32 v17, v15  }
0xe3: {  	v15 =	vpop (erf)  }
0xe4: {  	v16 =	vsub.f32 $0.0e+00, v16;
	v42 =	vpop (erf)  }
0xe5: {  	v17 =	vadd.f32 $1.000000000e+00, v42  }
0xe6: {  	v43 =	vld [tilespmem:$0x520];
	v16 =	vmul.f32 $1.442695020e+00, v16  }
0xe7: {  	v44 =	vld [tilespmem:$0x720];
	(erf) = vrcp.f32 v17  }
0xe8: {  	(erf) = vpow2.f32 v16;
	_ =	sdelay $0x1  }
0xe9: {  	v18 =	vld [tilespmem:$0x920];
	_ =	sdelay $0x1  }
0xea: {  	v16 =	vadd.f32 v44, v43;
	_ =	sdelay $0x2  }
0xeb: {  	v17 =	vadd.f32 v18, v16  }
0xec: {  	v16 =	vpop (erf)  }
0xed: {  	v17 =	vsub.f32 $0.0e+00, v17;
	v45 =	vpop (erf)  }
0xee: {  	v18 =	vadd.f32 $1.000000000e+00, v45  }
0xef: {  	v46 =	vld [tilespmem:$0x530];
	v17 =	vmul.f32 $1.442695020e+00, v17  }
0xf0: {  	v47 =	vld [tilespmem:$0x730];
	(erf) = vrcp.f32 v18  }
0xf1: {  	(erf) = vpow2.f32 v17;
	_ =	sdelay $0x1  }
0xf2: {  	v19 =	vld [tilespmem:$0x930];
	_ =	sdelay $0x1  }
0xf3: {  	v17 =	vadd.f32 v47, v46;
	_ =	sdelay $0x2  }
0xf4: {  	v18 =	vadd.f32 v19, v17  }
0xf5: {  	v17 =	vpop (erf)  }
0xf6: {  	v18 =	vsub.f32 $0.0e+00, v18;
	v48 =	vpop (erf)  }
0xf7: {  	v19 =	vadd.f32 $1.000000000e+00, v48  }
0xf8: {  	v49 =	vld [tilespmem:$0x540];
	v18 =	vmul.f32 $1.442695020e+00, v18  }
0xf9: {  	v50 =	vld [tilespmem:$0x740];
	(erf) = vrcp.f32 v19  }
0xfa: {  	(erf) = vpow2.f32 v18;
	_ =	sdelay $0x1  }
0xfb: {  	v20 =	vld [tilespmem:$0x940];
	_ =	sdelay $0x1  }
0xfc: {  	v18 =	vadd.f32 v50, v49;
	_ =	sdelay $0x2  }
0xfd: {  	v19 =	vadd.f32 v20, v18  }
0xfe: {  	v18 =	vpop (erf)  }
0xff: {  	v19 =	vsub.f32 $0.0e+00, v19;
	v51 =	vpop (erf)  }
0x100: {  	v20 =	vadd.f32 $1.000000000e+00, v51  }
0x101: {  	v52 =	vld [tilespmem:$0x550];
	v19 =	vmul.f32 $1.442695020e+00, v19  }
0x102: {  	v53 =	vld [tilespmem:$0x750];
	(erf) = vrcp.f32 v20  }
0x103: {  	(erf) = vpow2.f32 v19;
	_ =	sdelay $0x1  }
0x104: {  	v21 =	vld [tilespmem:$0x950];
	_ =	sdelay $0x1  }
0x105: {  	v19 =	vadd.f32 v53, v52;
	_ =	sdelay $0x2  }
0x106: {  	v20 =	vadd.f32 v21, v19  }
0x107: {  	v19 =	vpop (erf)  }
0x108: {  	v20 =	vsub.f32 $0.0e+00, v20;
	v54 =	vpop (erf)  }
0x109: {  	v21 =	vadd.f32 $1.000000000e+00, v54  }
0x10a: {  	v55 =	vld [tilespmem:$0x560];
	v20 =	vmul.f32 $1.442695020e+00, v20  }
0x10b: {  	v56 =	vld [tilespmem:$0x760];
	(erf) = vrcp.f32 v21  }
0x10c: {  	(erf) = vpow2.f32 v20;
	_ =	sdelay $0x1  }
0x10d: {  	v22 =	vld [tilespmem:$0x960];
	_ =	sdelay $0x1  }
0x10e: {  	v20 =	vadd.f32 v56, v55;
	_ =	sdelay $0x2  }
0x10f: {  	v21 =	vadd.f32 v22, v20  }
0x110: {  	v20 =	vpop (erf)  }
0x111: {  	v21 =	vsub.f32 $0.0e+00, v21;
	v57 =	vpop (erf)  }
0x112: {  	v22 =	vadd.f32 $1.000000000e+00, v57  }
0x113: {  	v21 =	vmul.f32 $1.442695020e+00, v21  }
0x114: {  	v58 =	vld [tilespmem:$0x570];
	(erf) = vrcp.f32 v22  }
0x115: {  	v59 =	vld [tilespmem:$0x770];
	(erf) = vpow2.f32 v21;
	_ =	sdelay $0x1  }
0x116: {  	v23 =	vld [tilespmem:$0x970];
	_ =	sdelay $0x2  }
0x117: {  	v21 =	vadd.f32 v59, v58;
	_ =	sdelay $0x1  }
0x118: {  	v21 =	vadd.f32 v23, v21  }
0x119: {  	v22 =	vpop (erf)  }
0x11a: {  	v21 =	vsub.f32 $0.0e+00, v21;
	v60 =	vpop (erf)  }
0x11b: {  	v23 =	vadd.f32 $1.000000000e+00, v60  }
0x11c: {  	v21 =	vmul.f32 $1.442695020e+00, v21  }
0x11d: {  	v61 =	vld [tilespmem:$0x580];
	(erf) = vrcp.f32 v23  }
0x11e: {  	v62 =	vld [tilespmem:$0x780];
	(erf) = vpow2.f32 v21;
	_ =	sdelay $0x1  }
0x11f: {  	v24 =	vld [tilespmem:$0x980];
	_ =	sdelay $0x2  }
0x120: {  	v21 =	vadd.f32 v62, v61;
	_ =	sdelay $0x1  }
0x121: {  	v21 =	vadd.f32 v24, v21  }
0x122: {  	v63 =	vpop (erf)  }
0x123: {  	v21 =	vsub.f32 $0.0e+00, v21;
	v31 =	vpop (erf)  }
0x124: {  	v24 =	vadd.f32 $1.000000000e+00, v31  }
0x125: {  	v21 =	vmul.f32 $1.442695020e+00, v21  }
0x126: {  	v32 =	vld [tilespmem:$0x590];
	(erf) = vrcp.f32 v24  }
0x127: {  	v33 =	vld [tilespmem:$0x790];
	(erf) = vpow2.f32 v21;
	_ =	sdelay $0x1  }
0x128: {  	v25 =	vld [tilespmem:$0x990];
	_ =	sdelay $0x2  }
0x129: {  	v21 =	vadd.f32 v33, v32;
	_ =	sdelay $0x1  }
0x12a: {  	v21 =	vadd.f32 v25, v21  }
0x12b: {  	v34 =	vpop (erf)  }
0x12c: {  	v21 =	vsub.f32 $0.0e+00, v21;
	v35 =	vpop (erf)  }
0x12d: {  	v25 =	vadd.f32 $1.000000000e+00, v35  }
0x12e: {  	v21 =	vmul.f32 $1.442695020e+00, v21  }
0x12f: {  	v36 =	vld [tilespmem:$0x5A0];
	(erf) = vrcp.f32 v25  }
0x130: {  	v37 =	vld [tilespmem:$0x7A0];
	(erf) = vpow2.f32 v21;
	_ =	sdelay $0x1  }
0x131: {  	v26 =	vld [tilespmem:$0x9A0];
	_ =	sdelay $0x2  }
0x132: {  	v21 =	vadd.f32 v37, v36;
	_ =	sdelay $0x1  }
0x133: {  	v21 =	vadd.f32 v26, v21  }
0x134: {  	v38 =	vpop (erf)  }
0x135: {  	v21 =	vsub.f32 $0.0e+00, v21;
	v39 =	vpop (erf)  }
0x136: {  	v26 =	vadd.f32 $1.000000000e+00, v39  }
0x137: {  	v21 =	vmul.f32 $1.442695020e+00, v21  }
0x138: {  	v40 =	vld [tilespmem:$0x5B0];
	(erf) = vrcp.f32 v26  }
0x139: {  	v41 =	vld [tilespmem:$0x7B0];
	(erf) = vpow2.f32 v21;
	_ =	sdelay $0x1  }
0x13a: {  	v27 =	vld [tilespmem:$0x9B0];
	_ =	sdelay $0x2  }
0x13b: {  	v21 =	vadd.f32 v41, v40;
	_ =	sdelay $0x1  }
0x13c: {  	v21 =	vadd.f32 v27, v21  }
0x13d: {  	v42 =	vpop (erf)  }
0x13e: {  	v21 =	vsub.f32 $0.0e+00, v21;
	v43 =	vpop (erf)  }
0x13f: {  	v27 =	vadd.f32 $1.000000000e+00, v43  }
0x140: {  	v21 =	vmul.f32 $1.442695020e+00, v21  }
0x141: {  	v44 =	vld [tilespmem:$0x5C0];
	(erf) = vrcp.f32 v27  }
0x142: {  	v45 =	vld [tilespmem:$0x7C0];
	(erf) = vpow2.f32 v21;
	_ =	sdelay $0x1  }
0x143: {  	v28 =	vld [tilespmem:$0x9C0];
	_ =	sdelay $0x2  }
0x144: {  	v21 =	vadd.f32 v45, v44;
	_ =	sdelay $0x1  }
0x145: {  	v21 =	vadd.f32 v28, v21  }
0x146: {  	v46 =	vpop (erf)  }
0x147: {  	v21 =	vsub.f32 $0.0e+00, v21;
	v47 =	vpop (erf)  }
0x148: {  	v28 =	vadd.f32 $1.000000000e+00, v47  }
0x149: {  	v21 =	vmul.f32 $1.442695020e+00, v21  }
0x14a: {  	v48 =	vld [tilespmem:$0x5D0];
	(erf) = vrcp.f32 v28  }
0x14b: {  	v49 =	vld [tilespmem:$0x7D0];
	(erf) = vpow2.f32 v21;
	_ =	sdelay $0x1  }
0x14c: {  	v29 =	vld [tilespmem:$0x9D0];
	_ =	sdelay $0x2  }
0x14d: {  	v21 =	vadd.f32 v49, v48;
	_ =	sdelay $0x1  }
0x14e: {  	v21 =	vadd.f32 v29, v21  }
0x14f: {  	v50 =	vpop (erf)  }
0x150: {  	v21 =	vsub.f32 $0.0e+00, v21;
	v51 =	vpop (erf)  }
0x151: {  	v29 =	vadd.f32 $1.000000000e+00, v51  }
0x152: {  	v21 =	vmul.f32 $1.442695020e+00, v21  }
0x153: {  	v52 =	vld [tilespmem:$0x5E0];
	(erf) = vrcp.f32 v29  }
0x154: {  	v53 =	vld [tilespmem:$0x7E0];
	(erf) = vpow2.f32 v21;
	_ =	sdelay $0x1  }
0x155: {  	v30 =	vld [tilespmem:$0x9E0];
	_ =	sdelay $0x2  }
0x156: {  	v21 =	vadd.f32 v53, v52;
	_ =	sdelay $0x1  }
0x157: {  	v21 =	vadd.f32 v30, v21  }
0x158: {  	v54 =	vpop (erf)  }
0x159: {  	v21 =	vsub.f32 $0.0e+00, v21;
	v55 =	vpop (erf)  }
0x15a: {  	v30 =	vadd.f32 $1.000000000e+00, v55  }
0x15b: {  	v21 =	vmul.f32 $1.442695020e+00, v21  }
0x15c: {  	v56 =	vld [tilespmem:$0x5F0];
	(erf) = vrcp.f32 v30  }
0x15d: {  	v57 =	vld [tilespmem:$0x7F0];
	(erf) = vpow2.f32 v21;
	_ =	sdelay $0x1  }
0x15e: {  	v31 =	vld [tilespmem:$0x9F0];
	_ =	sdelay $0x1  }
0x15f: {  	[tilespmem:$0xA00] =	vst v0  }
0x160: {  	[tilespmem:$0xA10] =	vst v1;
	v58 =	vadd.f32 v57, v56  }
0x161: {  	[tilespmem:$0xA20] =	vst v2  }
0x162: {  	[tilespmem:$0xA30] =	vst v3;
	v0 =	vadd.f32 v31, v58  }
0x163: {  	[tilespmem:$0xA40] =	vst v4;
	v59 =	vpop (erf)  }
0x164: {  	[tilespmem:$0xA50] =	vst v5;
	v0 =	vsub.f32 $0.0e+00, v0;
	v60 =	vpop (erf)  }
0x165: {  	[tilespmem:$0xA60] =	vst v6;
	v2 =	vadd.f32 $1.000000000e+00, v60  }
0x166: {  	[tilespmem:$0xA70] =	vst v7;
	v0 =	vmul.f32 $1.442695020e+00, v0  }
0x167: {  	[tilespmem:$0xA80] =	vst v8;
	(erf) = vrcp.f32 v2  }
0x168: {  	[tilespmem:$0xA90] =	vst v9;
	(erf) = vpow2.f32 v0  }
0x169: {  	[tilespmem:$0xAA0] =	vst v10  }
0x16a: {  	[tilespmem:$0xAB0] =	vst v11  }
0x16b: {  	[tilespmem:$0xAC0] =	vst v12  }
0x16c: {  	[tilespmem:$0xAD0] =	vst v13  }
0x16d: {  	[tilespmem:$0xAE0] =	vst v14  }
0x16e: {  	[tilespmem:$0xAF0] =	vst v15  }
0x16f: {  	[tilespmem:$0xB00] =	vst v16  }
0x170: {  	[tilespmem:$0xB10] =	vst v17;
	v61 =	vpop (erf)  }
0x171: {  	[tilespmem:$0xB20] =	vst v18;
	v62 =	vpop (erf)  }
0x172: {  	[tilespmem:$0xB30] =	vst v19;
	v2 =	vadd.f32 $1.000000000e+00, v62  }
0x173: {  	[tilespmem:$0xB40] =	vst v20  }
0x174: {  	[tilespmem:$0xB50] =	vst v22;
	(erf) = vrcp.f32 v2  }
0x175: {  	[tilespmem:$0xB60] =	vst v63  }
0x176: {  	[tilespmem:$0xB70] =	vst v34  }
0x177: {  	[tilespmem:$0xB80] =	vst v38  }
0x178: {  	[tilespmem:$0xB90] =	vst v42  }
0x179: {  	[tilespmem:$0xBA0] =	vst v46  }
0x17a: {  	[tilespmem:$0xBB0] =	vst v50  }
0x17b: {  	[tilespmem:$0xBC0] =	vst v54  }
0x17c: {  	[tilespmem:$0xBD0] =	vst v59  }
0x17d: {  	p0 =	sne.s32 s9, $0x1;
	[tilespmem:$0xBE0] =	vst v61;
	v63 =	vpop (erf)  }
.Ltmp0:
0x17e: {  	[tilespmem:$0xBF0] =	vst v63;
	(pc) =	sbr.rel @p0 .LBB2_1-.Ltmp0, $4  }
0x17f: {  	[hbm4b:s8+s2] =	stream.linear.scatter [tilespmem:s29], [sflag:$0x3], $0x200, $0x38;
	[tilespmem:$0xC00] =	vst v63  }
0x180: {  	_ =	swait.ge [sflag:s30], $0x200  }
0x181: {  	[sflag:s30] =	ssyncset.done $0x0  }
0x182: {  	s9 =	sadd.s32 $0xFFFFFFFF, s9;
	[sflag:s30] =	ssyncadd.s32 $0xFFFFFE00  }
0x183: {  	_ =	sfence.sel $0x180000  }
0x184: {  	[bflag:$0x0] =	sbarrier.arrive $0xFFFF  }
0x185: {  	p0 =	sne.s32 s1, $0x0;
	_ =	strace $0x90000047  }
0x186: {  	s0 =	sadd.s32 @!p0 $0x100000, s0;
	[bflag:$0x2] =	sbarrier.arrive $0xFFFF  }
0x187: {  	[sflag:s0] =	ssyncadd.tile.s32 @!p0 $0x1;
	_ =	shalt  }
.Lfunc_end2:
_tile_overlayer_lowered:
.L_overlay_start_2:
0x188: {  	(tag) =	ssettag $0x2  }
0x189: {  	s0 =	rddreg [dreg:$0x0];
	s2 =	stileid.u32  }
0x18a: {  	s1 =	rddreg [dreg:$0x1];
	p0 =	sne.s32 s2, $0x0  }
0x18b: {  	s3 =	rddreg [dreg:$0x2];
	[bflag:$0x3] =	sbarrier.arrive $0xFFFF;
	s2 =	simm.s32 @!p0 $0x1C03  }
0x18c: {  	[timem:s3], [sflag:s2] =	dma.local @!p0 [hbm:s0], s1  }
0x18d: {  	s0 =	simm.s32 @!p0 $0x3  }
0x18e: {  	_ =	swait.ge @!p0 [sflag:s0], s1  }
0x18f: {  	s1 =	ssub.s32 @!p0 $0x0, s1;
	[sflag:s0] =	ssyncset.done @!p0 $0x0  }
0x190: {  	[sflag:s0] =	ssyncadd.s32 @!p0 s1  }
0x191: {  	[bflag:$0x3] =	sbarrier.arrive $0xFFFF  }
0x192: {  	_ =	shalt  }

</sc_bundles>
